<compile_context>
chip_gen: v7x
topology: tpu7x:2x2x1
jax: 0.10.2.dev20260603
libtpu: 0.0.44.dev20260713+nightly
codegen_flags: <defaults>
</compile_context>

<pallas_src>
import functools

import jax
import jax.numpy as jnp
from jax import lax
from jax.experimental import pallas as pl
from jax.experimental.pallas import tpu as pltpu
from jax.experimental.pallas import tpu_sc as plsc

NC, NS, L = 2, 16, 16
NW = NC * NS
B, C, N = 128, 512, 128
HALF = N // 2
BPW = B // NW
CHUNK = 256
CPB = C // CHUNK
NCHUNK = BPW * CPB

_mesh = plsc.VectorSubcoreMesh(core_axis_name="c", subcore_axis_name="s")


@functools.partial(
    pl.kernel,
    mesh=_mesh,
    out_type=jax.ShapeDtypeStruct((B, C, HALF), jnp.float32),
    scratch_types=[
        pltpu.VMEM((CHUNK, N), jnp.float32),
        pltpu.VMEM((CHUNK, N), jnp.float32),
        pltpu.VMEM((CHUNK, HALF), jnp.float32),
        pltpu.VMEM((CHUNK, HALF), jnp.float32),
        pltpu.SemaphoreType.DMA,
        pltpu.SemaphoreType.DMA,
        pltpu.SemaphoreType.DMA,
        pltpu.SemaphoreType.DMA,
    ],
)
def _sc_maxpool(x_hbm, o_hbm, xv0, xv1, ov0, ov1, is0, is1, os0, os1):
    wid = lax.axis_index("s") * NC + lax.axis_index("c")
    b_base = wid * BPW
    xb, ob, isem, osem = (xv0, xv1), (ov0, ov1), (is0, is1), (os0, os1)

    def start_in(ci):
        b = b_base + ci // CPB
        c0 = (ci % CPB) * CHUNK
        return pltpu.async_copy(
            x_hbm.at[b, pl.ds(c0, CHUNK), :], xb[ci % 2], isem[ci % 2])

    def start_out(ci):
        b = b_base + ci // CPB
        c0 = (ci % CPB) * CHUNK
        return pltpu.async_copy(
            ob[ci % 2], o_hbm.at[b, pl.ds(c0, CHUNK), :], osem[ci % 2])

    def compute(ci):
        xv, ov = xb[ci % 2], ob[ci % 2]

        @plsc.parallel_loop(0, CHUNK, 1, unroll=4)
        def row_body(r):
            for kk in range(HALF // L):
                a = xv[r, pl.ds(kk * L, L)]
                b2 = xv[r, pl.ds(HALF + kk * L, L)]
                ov[r, pl.ds(kk * L, L)] = jnp.maximum(a, b2)

    in_d = {0: start_in(0), 1: start_in(1)}
    out_d = {}
    for ci in range(NCHUNK):
        in_d[ci].wait()
        if ci >= 2:
            out_d[ci - 2].wait()
        plsc.subcore_barrier()
        compute(ci)
        plsc.subcore_barrier()
        out_d[ci] = start_out(ci)
        if ci + 2 < NCHUNK:
            in_d[ci + 2] = start_in(ci + 2)
    out_d[NCHUNK - 2].wait()
    out_d[NCHUNK - 1].wait()


def kernel(data):
    return _sc_maxpool(data)

# --- scband reference (transcript-rebuilt; emitter-appended) ---
"""Pipeline reference for scband-mesh-max-pool-71193377898864 (READ-ONLY COPY).

The authoritative reference and input builder live on the scoring server;
editing this copy changes nothing except your own understanding.
"""

import jax, jax.numpy as jnp
import numpy as np


def setup_inputs(seed: int = 0) -> dict:
    key = jax.random.key(seed)
    x = jax.random.normal(key, (128, 512, 128), dtype=jnp.float32)
    return {"data": x}


def reference(data):
    # pool_map: coarse vertex i (i in [0,64)) collects fine columns {i, 64+i}.
    # Torch builds index[:, :, k] = i for each such column k, then
    # scatter_reduce_(dim=2, reduce='amax', include_self=False), i.e. a pure
    # segment-max over the last axis with segment ids seg[k].
    seg = jnp.concatenate([jnp.arange(64, dtype=jnp.int32), jnp.arange(64, dtype=jnp.int32)])
    xt = jnp.transpose(data, (2, 0, 1))  # [N, B, C]
    out = jax.ops.segment_max(xt, seg, num_segments=64)  # [64, B, C]
    return jnp.transpose(out, (1, 2, 0))  # [B, C, 64]

if __name__ == "__main__":
    import jax
    _d = setup_inputs()
    print(jax.jit(kernel)(*tuple(_d.values())))

</pallas_src>

<mosaic_0001>
#map = affine_map<(d0, d1) -> (0, 0, 0)>
module attributes {stable_mosaic.version = 14 : i64} {
  func.func @_sc_maxpool(%arg0: i32, %arg1: i32, %arg2: memref<128x512x128xf32, #tpu.memory_space<hbm>>, %arg3: memref<128x512x64xf32, #tpu.memory_space<hbm>>, %arg4: memref<256x128xf32, #tpu.memory_space<vmem>>, %arg5: memref<256x128xf32, #tpu.memory_space<vmem>>, %arg6: memref<256x64xf32, #tpu.memory_space<vmem>>, %arg7: memref<256x64xf32, #tpu.memory_space<vmem>>, %arg8: memref<!tpu.dma_semaphore, #tpu.memory_space<semaphore_mem>>, %arg9: memref<!tpu.dma_semaphore, #tpu.memory_space<semaphore_mem>>, %arg10: memref<!tpu.dma_semaphore, #tpu.memory_space<semaphore_mem>>, %arg11: memref<!tpu.dma_semaphore, #tpu.memory_space<semaphore_mem>>) attributes {dimension_semantics = [#tpu.dimension_semantics<core_parallel>, #tpu.dimension_semantics<subcore_parallel>], iteration_bounds = array<i64: 2, 16>, scalar_prefetch = 0 : i64, scratch_operands = 8 : i64, tpu.core_type = #tpu.core_type<sc_vector_subcore>, window_params = [{transform_indices = #map}, {transform_indices = #map}]} {
    %mul3A = arith.constant 2 : i32
    %mul3A_0 = arith.muli %arg1, %mul3A : i32
    %add3A = arith.addi %mul3A_0, %arg0 : i32
    %mul3A_1 = arith.constant 4 : i32
    %mul3A_2 = arith.muli %add3A, %mul3A_1 : i32
    %add3A_3 = arith.constant 0 : i32
    %add3A_4 = arith.addi %mul3A_2, %add3A_3 : i32
    %dma_start3A = arith.constant 0 : i32
    %dma_start3A_5 = arith.constant 0 : i32
    %dma_start3A_6 = tpu.memref_slice %arg2[%add3A_4, %dma_start3A, %dma_start3A_5] : memref<128x512x128xf32, #tpu.memory_space<hbm>> -> memref<1x256x128xf32, #tpu.memory_space<hbm>>
    %dma_start3A_7 = tpu.memref_squeeze %dma_start3A_6 : memref<1x256x128xf32, #tpu.memory_space<hbm>> -> memref<256x128xf32, #tpu.memory_space<hbm>>
    %dma_start3A_8 = arith.constant 0 : i32
    %dma_start3A_9 = arith.constant 0 : i32
    %dma_start3A_10 = tpu.memref_slice %arg2[%add3A_4, %dma_start3A_8, %dma_start3A_9] : memref<128x512x128xf32, #tpu.memory_space<hbm>> -> memref<1x256x128xf32, #tpu.memory_space<hbm>>
    %dma_start3A_11 = tpu.memref_squeeze %dma_start3A_10 : memref<1x256x128xf32, #tpu.memory_space<hbm>> -> memref<256x128xf32, #tpu.memory_space<hbm>>
    tpu.enqueue_dma source(%dma_start3A_11 : memref<256x128xf32, #tpu.memory_space<hbm>>) target(%arg4 : memref<256x128xf32, #tpu.memory_space<vmem>>) target_semaphore(%arg8 : memref<!tpu.dma_semaphore, #tpu.memory_space<semaphore_mem>>)
    %add3A_12 = arith.constant 0 : i32
    %add3A_13 = arith.addi %mul3A_2, %add3A_12 : i32
    %dma_start3A_14 = arith.constant 256 : i32
    %dma_start3A_15 = arith.constant 0 : i32
    %dma_start3A_16 = tpu.memref_slice %arg2[%add3A_13, %dma_start3A_14, %dma_start3A_15] : memref<128x512x128xf32, #tpu.memory_space<hbm>> -> memref<1x256x128xf32, #tpu.memory_space<hbm>>
    %dma_start3A_17 = tpu.memref_squeeze %dma_start3A_16 : memref<1x256x128xf32, #tpu.memory_space<hbm>> -> memref<256x128xf32, #tpu.memory_space<hbm>>
    %dma_start3A_18 = arith.constant 256 : i32
    %dma_start3A_19 = arith.constant 0 : i32
    %dma_start3A_20 = tpu.memref_slice %arg2[%add3A_13, %dma_start3A_18, %dma_start3A_19] : memref<128x512x128xf32, #tpu.memory_space<hbm>> -> memref<1x256x128xf32, #tpu.memory_space<hbm>>
    %dma_start3A_21 = tpu.memref_squeeze %dma_start3A_20 : memref<1x256x128xf32, #tpu.memory_space<hbm>> -> memref<256x128xf32, #tpu.memory_space<hbm>>
    tpu.enqueue_dma source(%dma_start3A_21 : memref<256x128xf32, #tpu.memory_space<hbm>>) target(%arg5 : memref<256x128xf32, #tpu.memory_space<vmem>>) target_semaphore(%arg9 : memref<!tpu.dma_semaphore, #tpu.memory_space<semaphore_mem>>)
    %dma_wait3A = arith.constant 0 : i32
    %dma_wait3A_22 = arith.constant 0 : i32
    %dma_wait3A_23 = tpu.memref_slice %arg2[%add3A_4, %dma_wait3A, %dma_wait3A_22] : memref<128x512x128xf32, #tpu.memory_space<hbm>> -> memref<1x256x128xf32, #tpu.memory_space<hbm>>
    %dma_wait3A_24 = tpu.memref_squeeze %dma_wait3A_23 : memref<1x256x128xf32, #tpu.memory_space<hbm>> -> memref<256x128xf32, #tpu.memory_space<hbm>>
    %dma_wait3A_25 = arith.constant 0 : i32
    %dma_wait3A_26 = arith.constant 0 : i32
    %dma_wait3A_27 = tpu.memref_slice %arg2[%add3A_4, %dma_wait3A_25, %dma_wait3A_26] : memref<128x512x128xf32, #tpu.memory_space<hbm>> -> memref<1x256x128xf32, #tpu.memory_space<hbm>>
    %dma_wait3A_28 = tpu.memref_squeeze %dma_wait3A_27 : memref<1x256x128xf32, #tpu.memory_space<hbm>> -> memref<256x128xf32, #tpu.memory_space<hbm>>
    tpu.wait_dma2 semaphore(%arg8 : memref<!tpu.dma_semaphore, #tpu.memory_space<semaphore_mem>>) src(%dma_wait3A_28 : memref<256x128xf32, #tpu.memory_space<hbm>>) dst(%arg4 : memref<256x128xf32, #tpu.memory_space<vmem>>)
    %barrier3A = arith.constant 0 : index
    tpu.barrier barrier_id(%barrier3A)
    %parallel_loop3A = arith.constant 0 : i32
    %parallel_loop3A_29 = arith.constant 256 : i32
    %parallel_loop3A_30 = arith.constant 1 : i32
    scf.for %parallel_loop3A_327 = %parallel_loop3A to %parallel_loop3A_29 step %parallel_loop3A_30  : i32 {
      %parallel_loop3A_328 = arith.index_cast %parallel_loop3A_327 : i32 to index
      %parallel_loop3A_329 = arith.constant 0 : index
      %parallel_loop3A_330 = tpu.vector_load %arg4[%parallel_loop3A_328, %parallel_loop3A_329] {strides = array<i32>} : memref<256x128xf32, #tpu.memory_space<vmem>>, vector<1x16xf32>,
      %parallel_loop3A_331 = vector.shape_cast %parallel_loop3A_330 : vector<1x16xf32> to vector<16xf32>
      %parallel_loop3A_332 = arith.index_cast %parallel_loop3A_327 : i32 to index
      %parallel_loop3A_333 = arith.constant 64 : index
      %parallel_loop3A_334 = tpu.vector_load %arg4[%parallel_loop3A_332, %parallel_loop3A_333] {strides = array<i32>} : memref<256x128xf32, #tpu.memory_space<vmem>>, vector<1x16xf32>,
      %parallel_loop3A_335 = vector.shape_cast %parallel_loop3A_334 : vector<1x16xf32> to vector<16xf32>
      %parallel_loop3A_336 = arith.maximumf %parallel_loop3A_331, %parallel_loop3A_335 : vector<16xf32>
      %parallel_loop3A_337 = arith.index_cast %parallel_loop3A_327 : i32 to index
      %parallel_loop3A_338 = arith.constant 0 : index
      %parallel_loop3A_339 = tpu.vector_load %arg6[%parallel_loop3A_337, %parallel_loop3A_338] {strides = array<i32>} : memref<256x64xf32, #tpu.memory_space<vmem>>, vector<1x16xf32>,
      %parallel_loop3A_340 = vector.shape_cast %parallel_loop3A_339 : vector<1x16xf32> to vector<16xf32>
      %parallel_loop3A_341 = vector.shape_cast %parallel_loop3A_336 : vector<16xf32> to vector<1x16xf32>
      tpu.vector_store %arg6[%parallel_loop3A_337, %parallel_loop3A_338], %parallel_loop3A_341 {strides = array<i32>} : memref<256x64xf32, #tpu.memory_space<vmem>>, vector<1x16xf32>,
      %parallel_loop3A_342 = arith.index_cast %parallel_loop3A_327 : i32 to index
      %parallel_loop3A_343 = arith.constant 16 : index
      %parallel_loop3A_344 = tpu.vector_load %arg4[%parallel_loop3A_342, %parallel_loop3A_343] {strides = array<i32>} : memref<256x128xf32, #tpu.memory_space<vmem>>, vector<1x16xf32>,
      %parallel_loop3A_345 = vector.shape_cast %parallel_loop3A_344 : vector<1x16xf32> to vector<16xf32>
      %parallel_loop3A_346 = arith.index_cast %parallel_loop3A_327 : i32 to index
      %parallel_loop3A_347 = arith.constant 80 : index
      %parallel_loop3A_348 = tpu.vector_load %arg4[%parallel_loop3A_346, %parallel_loop3A_347] {strides = array<i32>} : memref<256x128xf32, #tpu.memory_space<vmem>>, vector<1x16xf32>,
      %parallel_loop3A_349 = vector.shape_cast %parallel_loop3A_348 : vector<1x16xf32> to vector<16xf32>
      %parallel_loop3A_350 = arith.maximumf %parallel_loop3A_345, %parallel_loop3A_349 : vector<16xf32>
      %parallel_loop3A_351 = arith.index_cast %parallel_loop3A_327 : i32 to index
      %parallel_loop3A_352 = arith.constant 16 : index
      %parallel_loop3A_353 = tpu.vector_load %arg6[%parallel_loop3A_351, %parallel_loop3A_352] {strides = array<i32>} : memref<256x64xf32, #tpu.memory_space<vmem>>, vector<1x16xf32>,
      %parallel_loop3A_354 = vector.shape_cast %parallel_loop3A_353 : vector<1x16xf32> to vector<16xf32>
      %parallel_loop3A_355 = vector.shape_cast %parallel_loop3A_350 : vector<16xf32> to vector<1x16xf32>
      tpu.vector_store %arg6[%parallel_loop3A_351, %parallel_loop3A_352], %parallel_loop3A_355 {strides = array<i32>} : memref<256x64xf32, #tpu.memory_space<vmem>>, vector<1x16xf32>,
      %parallel_loop3A_356 = arith.index_cast %parallel_loop3A_327 : i32 to index
      %parallel_loop3A_357 = arith.constant 32 : index
      %parallel_loop3A_358 = tpu.vector_load %arg4[%parallel_loop3A_356, %parallel_loop3A_357] {strides = array<i32>} : memref<256x128xf32, #tpu.memory_space<vmem>>, vector<1x16xf32>,
      %parallel_loop3A_359 = vector.shape_cast %parallel_loop3A_358 : vector<1x16xf32> to vector<16xf32>
      %parallel_loop3A_360 = arith.index_cast %parallel_loop3A_327 : i32 to index
      %parallel_loop3A_361 = arith.constant 96 : index
      %parallel_loop3A_362 = tpu.vector_load %arg4[%parallel_loop3A_360, %parallel_loop3A_361] {strides = array<i32>} : memref<256x128xf32, #tpu.memory_space<vmem>>, vector<1x16xf32>,
      %parallel_loop3A_363 = vector.shape_cast %parallel_loop3A_362 : vector<1x16xf32> to vector<16xf32>
      %parallel_loop3A_364 = arith.maximumf %parallel_loop3A_359, %parallel_loop3A_363 : vector<16xf32>
      %parallel_loop3A_365 = arith.index_cast %parallel_loop3A_327 : i32 to index
      %parallel_loop3A_366 = arith.constant 32 : index
      %parallel_loop3A_367 = tpu.vector_load %arg6[%parallel_loop3A_365, %parallel_loop3A_366] {strides = array<i32>} : memref<256x64xf32, #tpu.memory_space<vmem>>, vector<1x16xf32>,
      %parallel_loop3A_368 = vector.shape_cast %parallel_loop3A_367 : vector<1x16xf32> to vector<16xf32>
      %parallel_loop3A_369 = vector.shape_cast %parallel_loop3A_364 : vector<16xf32> to vector<1x16xf32>
      tpu.vector_store %arg6[%parallel_loop3A_365, %parallel_loop3A_366], %parallel_loop3A_369 {strides = array<i32>} : memref<256x64xf32, #tpu.memory_space<vmem>>, vector<1x16xf32>,
      %parallel_loop3A_370 = arith.index_cast %parallel_loop3A_327 : i32 to index
      %parallel_loop3A_371 = arith.constant 48 : index
      %parallel_loop3A_372 = tpu.vector_load %arg4[%parallel_loop3A_370, %parallel_loop3A_371] {strides = array<i32>} : memref<256x128xf32, #tpu.memory_space<vmem>>, vector<1x16xf32>,
      %parallel_loop3A_373 = vector.shape_cast %parallel_loop3A_372 : vector<1x16xf32> to vector<16xf32>
      %parallel_loop3A_374 = arith.index_cast %parallel_loop3A_327 : i32 to index
      %parallel_loop3A_375 = arith.constant 112 : index
      %parallel_loop3A_376 = tpu.vector_load %arg4[%parallel_loop3A_374, %parallel_loop3A_375] {strides = array<i32>} : memref<256x128xf32, #tpu.memory_space<vmem>>, vector<1x16xf32>,
      %parallel_loop3A_377 = vector.shape_cast %parallel_loop3A_376 : vector<1x16xf32> to vector<16xf32>
      %parallel_loop3A_378 = arith.maximumf %parallel_loop3A_373, %parallel_loop3A_377 : vector<16xf32>
      %parallel_loop3A_379 = arith.index_cast %parallel_loop3A_327 : i32 to index
      %parallel_loop3A_380 = arith.constant 48 : index
      %parallel_loop3A_381 = tpu.vector_load %arg6[%parallel_loop3A_379, %parallel_loop3A_380] {strides = array<i32>} : memref<256x64xf32, #tpu.memory_space<vmem>>, vector<1x16xf32>,
      %parallel_loop3A_382 = vector.shape_cast %parallel_loop3A_381 : vector<1x16xf32> to vector<16xf32>
      %parallel_loop3A_383 = vector.shape_cast %parallel_loop3A_378 : vector<16xf32> to vector<1x16xf32>
      tpu.vector_store %arg6[%parallel_loop3A_379, %parallel_loop3A_380], %parallel_loop3A_383 {strides = array<i32>} : memref<256x64xf32, #tpu.memory_space<vmem>>, vector<1x16xf32>,
    } {sc.loop_unroll_factor = 4 : i64, sc.parallel_access}
    %barrier3A_31 = arith.constant 0 : index
    tpu.barrier barrier_id(%barrier3A_31)
    %add3A_32 = arith.constant 0 : i32
    %add3A_33 = arith.addi %mul3A_2, %add3A_32 : i32
    %dma_start3A_34 = arith.constant 0 : i32
    %dma_start3A_35 = arith.constant 0 : i32
    %dma_start3A_36 = tpu.memref_slice %arg3[%add3A_33, %dma_start3A_34, %dma_start3A_35] : memref<128x512x64xf32, #tpu.memory_space<hbm>> -> memref<1x256x64xf32, #tpu.memory_space<hbm>>
    %dma_start3A_37 = tpu.memref_squeeze %dma_start3A_36 : memref<1x256x64xf32, #tpu.memory_space<hbm>> -> memref<256x64xf32, #tpu.memory_space<hbm>>
    %dma_start3A_38 = arith.constant 0 : i32
    %dma_start3A_39 = arith.constant 0 : i32
    %dma_start3A_40 = tpu.memref_slice %arg3[%add3A_33, %dma_start3A_38, %dma_start3A_39] : memref<128x512x64xf32, #tpu.memory_space<hbm>> -> memref<1x256x64xf32, #tpu.memory_space<hbm>>
    %dma_start3A_41 = tpu.memref_squeeze %dma_start3A_40 : memref<1x256x64xf32, #tpu.memory_space<hbm>> -> memref<256x64xf32, #tpu.memory_space<hbm>>
    tpu.enqueue_dma source(%arg6 : memref<256x64xf32, #tpu.memory_space<vmem>>) target(%dma_start3A_41 : memref<256x64xf32, #tpu.memory_space<hbm>>) target_semaphore(%arg10 : memref<!tpu.dma_semaphore, #tpu.memory_space<semaphore_mem>>)
    %add3A_42 = arith.constant 1 : i32
    %add3A_43 = arith.addi %mul3A_2, %add3A_42 : i32
    %dma_start3A_44 = arith.constant 0 : i32
    %dma_start3A_45 = arith.constant 0 : i32
    %dma_start3A_46 = tpu.memref_slice %arg2[%add3A_43, %dma_start3A_44, %dma_start3A_45] : memref<128x512x128xf32, #tpu.memory_space<hbm>> -> memref<1x256x128xf32, #tpu.memory_space<hbm>>
    %dma_start3A_47 = tpu.memref_squeeze %dma_start3A_46 : memref<1x256x128xf32, #tpu.memory_space<hbm>> -> memref<256x128xf32, #tpu.memory_space<hbm>>
    %dma_start3A_48 = arith.constant 0 : i32
    %dma_start3A_49 = arith.constant 0 : i32
    %dma_start3A_50 = tpu.memref_slice %arg2[%add3A_43, %dma_start3A_48, %dma_start3A_49] : memref<128x512x128xf32, #tpu.memory_space<hbm>> -> memref<1x256x128xf32, #tpu.memory_space<hbm>>
    %dma_start3A_51 = tpu.memref_squeeze %dma_start3A_50 : memref<1x256x128xf32, #tpu.memory_space<hbm>> -> memref<256x128xf32, #tpu.memory_space<hbm>>
    tpu.enqueue_dma source(%dma_start3A_51 : memref<256x128xf32, #tpu.memory_space<hbm>>) target(%arg4 : memref<256x128xf32, #tpu.memory_space<vmem>>) target_semaphore(%arg8 : memref<!tpu.dma_semaphore, #tpu.memory_space<semaphore_mem>>)
    %dma_wait3A_52 = arith.constant 256 : i32
    %dma_wait3A_53 = arith.constant 0 : i32
    %dma_wait3A_54 = tpu.memref_slice %arg2[%add3A_13, %dma_wait3A_52, %dma_wait3A_53] : memref<128x512x128xf32, #tpu.memory_space<hbm>> -> memref<1x256x128xf32, #tpu.memory_space<hbm>>
    %dma_wait3A_55 = tpu.memref_squeeze %dma_wait3A_54 : memref<1x256x128xf32, #tpu.memory_space<hbm>> -> memref<256x128xf32, #tpu.memory_space<hbm>>
    %dma_wait3A_56 = arith.constant 256 : i32
    %dma_wait3A_57 = arith.constant 0 : i32
    %dma_wait3A_58 = tpu.memref_slice %arg2[%add3A_13, %dma_wait3A_56, %dma_wait3A_57] : memref<128x512x128xf32, #tpu.memory_space<hbm>> -> memref<1x256x128xf32, #tpu.memory_space<hbm>>
    %dma_wait3A_59 = tpu.memref_squeeze %dma_wait3A_58 : memref<1x256x128xf32, #tpu.memory_space<hbm>> -> memref<256x128xf32, #tpu.memory_space<hbm>>
    tpu.wait_dma2 semaphore(%arg9 : memref<!tpu.dma_semaphore, #tpu.memory_space<semaphore_mem>>) src(%dma_wait3A_59 : memref<256x128xf32, #tpu.memory_space<hbm>>) dst(%arg5 : memref<256x128xf32, #tpu.memory_space<vmem>>)
    %barrier3A_60 = arith.constant 0 : index
    tpu.barrier barrier_id(%barrier3A_60)
    %parallel_loop3A_61 = arith.constant 0 : i32
    %parallel_loop3A_62 = arith.constant 256 : i32
    %parallel_loop3A_63 = arith.constant 1 : i32
    scf.for %parallel_loop3A_327 = %parallel_loop3A_61 to %parallel_loop3A_62 step %parallel_loop3A_63  : i32 {
      %parallel_loop3A_328 = arith.index_cast %parallel_loop3A_327 : i32 to index
      %parallel_loop3A_329 = arith.constant 0 : index
      %parallel_loop3A_330 = tpu.vector_load %arg5[%parallel_loop3A_328, %parallel_loop3A_329] {strides = array<i32>} : memref<256x128xf32, #tpu.memory_space<vmem>>, vector<1x16xf32>,
      %parallel_loop3A_331 = vector.shape_cast %parallel_loop3A_330 : vector<1x16xf32> to vector<16xf32>
      %parallel_loop3A_332 = arith.index_cast %parallel_loop3A_327 : i32 to index
      %parallel_loop3A_333 = arith.constant 64 : index
      %parallel_loop3A_334 = tpu.vector_load %arg5[%parallel_loop3A_332, %parallel_loop3A_333] {strides = array<i32>} : memref<256x128xf32, #tpu.memory_space<vmem>>, vector<1x16xf32>,
      %parallel_loop3A_335 = vector.shape_cast %parallel_loop3A_334 : vector<1x16xf32> to vector<16xf32>
      %parallel_loop3A_336 = arith.maximumf %parallel_loop3A_331, %parallel_loop3A_335 : vector<16xf32>
      %parallel_loop3A_337 = arith.index_cast %parallel_loop3A_327 : i32 to index
      %parallel_loop3A_338 = arith.constant 0 : index
      %parallel_loop3A_339 = tpu.vector_load %arg7[%parallel_loop3A_337, %parallel_loop3A_338] {strides = array<i32>} : memref<256x64xf32, #tpu.memory_space<vmem>>, vector<1x16xf32>,
      %parallel_loop3A_340 = vector.shape_cast %parallel_loop3A_339 : vector<1x16xf32> to vector<16xf32>
      %parallel_loop3A_341 = vector.shape_cast %parallel_loop3A_336 : vector<16xf32> to vector<1x16xf32>
      tpu.vector_store %arg7[%parallel_loop3A_337, %parallel_loop3A_338], %parallel_loop3A_341 {strides = array<i32>} : memref<256x64xf32, #tpu.memory_space<vmem>>, vector<1x16xf32>,
      %parallel_loop3A_342 = arith.index_cast %parallel_loop3A_327 : i32 to index
      %parallel_loop3A_343 = arith.constant 16 : index
      %parallel_loop3A_344 = tpu.vector_load %arg5[%parallel_loop3A_342, %parallel_loop3A_343] {strides = array<i32>} : memref<256x128xf32, #tpu.memory_space<vmem>>, vector<1x16xf32>,
      %parallel_loop3A_345 = vector.shape_cast %parallel_loop3A_344 : vector<1x16xf32> to vector<16xf32>
      %parallel_loop3A_346 = arith.index_cast %parallel_loop3A_327 : i32 to index
      %parallel_loop3A_347 = arith.constant 80 : index
      %parallel_loop3A_348 = tpu.vector_load %arg5[%parallel_loop3A_346, %parallel_loop3A_347] {strides = array<i32>} : memref<256x128xf32, #tpu.memory_space<vmem>>, vector<1x16xf32>,
      %parallel_loop3A_349 = vector.shape_cast %parallel_loop3A_348 : vector<1x16xf32> to vector<16xf32>
      %parallel_loop3A_350 = arith.maximumf %parallel_loop3A_345, %parallel_loop3A_349 : vector<16xf32>
      %parallel_loop3A_351 = arith.index_cast %parallel_loop3A_327 : i32 to index
      %parallel_loop3A_352 = arith.constant 16 : index
      %parallel_loop3A_353 = tpu.vector_load %arg7[%parallel_loop3A_351, %parallel_loop3A_352] {strides = array<i32>} : memref<256x64xf32, #tpu.memory_space<vmem>>, vector<1x16xf32>,
      %parallel_loop3A_354 = vector.shape_cast %parallel_loop3A_353 : vector<1x16xf32> to vector<16xf32>
      %parallel_loop3A_355 = vector.shape_cast %parallel_loop3A_350 : vector<16xf32> to vector<1x16xf32>
      tpu.vector_store %arg7[%parallel_loop3A_351, %parallel_loop3A_352], %parallel_loop3A_355 {strides = array<i32>} : memref<256x64xf32, #tpu.memory_space<vmem>>, vector<1x16xf32>,
      %parallel_loop3A_356 = arith.index_cast %parallel_loop3A_327 : i32 to index
      %parallel_loop3A_357 = arith.constant 32 : index
      %parallel_loop3A_358 = tpu.vector_load %arg5[%parallel_loop3A_356, %parallel_loop3A_357] {strides = array<i32>} : memref<256x128xf32, #tpu.memory_space<vmem>>, vector<1x16xf32>,
      %parallel_loop3A_359 = vector.shape_cast %parallel_loop3A_358 : vector<1x16xf32> to vector<16xf32>
      %parallel_loop3A_360 = arith.index_cast %parallel_loop3A_327 : i32 to index
      %parallel_loop3A_361 = arith.constant 96 : index
      %parallel_loop3A_362 = tpu.vector_load %arg5[%parallel_loop3A_360, %parallel_loop3A_361] {strides = array<i32>} : memref<256x128xf32, #tpu.memory_space<vmem>>, vector<1x16xf32>,
      %parallel_loop3A_363 = vector.shape_cast %parallel_loop3A_362 : vector<1x16xf32> to vector<16xf32>
      %parallel_loop3A_364 = arith.maximumf %parallel_loop3A_359, %parallel_loop3A_363 : vector<16xf32>
      %parallel_loop3A_365 = arith.index_cast %parallel_loop3A_327 : i32 to index
      %parallel_loop3A_366 = arith.constant 32 : index
      %parallel_loop3A_367 = tpu.vector_load %arg7[%parallel_loop3A_365, %parallel_loop3A_366] {strides = array<i32>} : memref<256x64xf32, #tpu.memory_space<vmem>>, vector<1x16xf32>,
      %parallel_loop3A_368 = vector.shape_cast %parallel_loop3A_367 : vector<1x16xf32> to vector<16xf32>
      %parallel_loop3A_369 = vector.shape_cast %parallel_loop3A_364 : vector<16xf32> to vector<1x16xf32>
      tpu.vector_store %arg7[%parallel_loop3A_365, %parallel_loop3A_366], %parallel_loop3A_369 {strides = array<i32>} : memref<256x64xf32, #tpu.memory_space<vmem>>, vector<1x16xf32>,
      %parallel_loop3A_370 = arith.index_cast %parallel_loop3A_327 : i32 to index
      %parallel_loop3A_371 = arith.constant 48 : index
      %parallel_loop3A_372 = tpu.vector_load %arg5[%parallel_loop3A_370, %parallel_loop3A_371] {strides = array<i32>} : memref<256x128xf32, #tpu.memory_space<vmem>>, vector<1x16xf32>,
      %parallel_loop3A_373 = vector.shape_cast %parallel_loop3A_372 : vector<1x16xf32> to vector<16xf32>
      %parallel_loop3A_374 = arith.index_cast %parallel_loop3A_327 : i32 to index
      %parallel_loop3A_375 = arith.constant 112 : index
      %parallel_loop3A_376 = tpu.vector_load %arg5[%parallel_loop3A_374, %parallel_loop3A_375] {strides = array<i32>} : memref<256x128xf32, #tpu.memory_space<vmem>>, vector<1x16xf32>,
      %parallel_loop3A_377 = vector.shape_cast %parallel_loop3A_376 : vector<1x16xf32> to vector<16xf32>
      %parallel_loop3A_378 = arith.maximumf %parallel_loop3A_373, %parallel_loop3A_377 : vector<16xf32>
      %parallel_loop3A_379 = arith.index_cast %parallel_loop3A_327 : i32 to index
      %parallel_loop3A_380 = arith.constant 48 : index
      %parallel_loop3A_381 = tpu.vector_load %arg7[%parallel_loop3A_379, %parallel_loop3A_380] {strides = array<i32>} : memref<256x64xf32, #tpu.memory_space<vmem>>, vector<1x16xf32>,
      %parallel_loop3A_382 = vector.shape_cast %parallel_loop3A_381 : vector<1x16xf32> to vector<16xf32>
      %parallel_loop3A_383 = vector.shape_cast %parallel_loop3A_378 : vector<16xf32> to vector<1x16xf32>
      tpu.vector_store %arg7[%parallel_loop3A_379, %parallel_loop3A_380], %parallel_loop3A_383 {strides = array<i32>} : memref<256x64xf32, #tpu.memory_space<vmem>>, vector<1x16xf32>,
    } {sc.loop_unroll_factor = 4 : i64, sc.parallel_access}
    %barrier3A_64 = arith.constant 0 : index
    tpu.barrier barrier_id(%barrier3A_64)
    %add3A_65 = arith.constant 0 : i32
    %add3A_66 = arith.addi %mul3A_2, %add3A_65 : i32
    %dma_start3A_67 = arith.constant 256 : i32
    %dma_start3A_68 = arith.constant 0 : i32
    %dma_start3A_69 = tpu.memref_slice %arg3[%add3A_66, %dma_start3A_67, %dma_start3A_68] : memref<128x512x64xf32, #tpu.memory_space<hbm>> -> memref<1x256x64xf32, #tpu.memory_space<hbm>>
    %dma_start3A_70 = tpu.memref_squeeze %dma_start3A_69 : memref<1x256x64xf32, #tpu.memory_space<hbm>> -> memref<256x64xf32, #tpu.memory_space<hbm>>
    %dma_start3A_71 = arith.constant 256 : i32
    %dma_start3A_72 = arith.constant 0 : i32
    %dma_start3A_73 = tpu.memref_slice %arg3[%add3A_66, %dma_start3A_71, %dma_start3A_72] : memref<128x512x64xf32, #tpu.memory_space<hbm>> -> memref<1x256x64xf32, #tpu.memory_space<hbm>>
    %dma_start3A_74 = tpu.memref_squeeze %dma_start3A_73 : memref<1x256x64xf32, #tpu.memory_space<hbm>> -> memref<256x64xf32, #tpu.memory_space<hbm>>
    tpu.enqueue_dma source(%arg7 : memref<256x64xf32, #tpu.memory_space<vmem>>) target(%dma_start3A_74 : memref<256x64xf32, #tpu.memory_space<hbm>>) target_semaphore(%arg11 : memref<!tpu.dma_semaphore, #tpu.memory_space<semaphore_mem>>)
    %add3A_75 = arith.constant 1 : i32
    %add3A_76 = arith.addi %mul3A_2, %add3A_75 : i32
    %dma_start3A_77 = arith.constant 256 : i32
    %dma_start3A_78 = arith.constant 0 : i32
    %dma_start3A_79 = tpu.memref_slice %arg2[%add3A_76, %dma_start3A_77, %dma_start3A_78] : memref<128x512x128xf32, #tpu.memory_space<hbm>> -> memref<1x256x128xf32, #tpu.memory_space<hbm>>
    %dma_start3A_80 = tpu.memref_squeeze %dma_start3A_79 : memref<1x256x128xf32, #tpu.memory_space<hbm>> -> memref<256x128xf32, #tpu.memory_space<hbm>>
    %dma_start3A_81 = arith.constant 256 : i32
    %dma_start3A_82 = arith.constant 0 : i32
    %dma_start3A_83 = tpu.memref_slice %arg2[%add3A_76, %dma_start3A_81, %dma_start3A_82] : memref<128x512x128xf32, #tpu.memory_space<hbm>> -> memref<1x256x128xf32, #tpu.memory_space<hbm>>
    %dma_start3A_84 = tpu.memref_squeeze %dma_start3A_83 : memref<1x256x128xf32, #tpu.memory_space<hbm>> -> memref<256x128xf32, #tpu.memory_space<hbm>>
    tpu.enqueue_dma source(%dma_start3A_84 : memref<256x128xf32, #tpu.memory_space<hbm>>) target(%arg5 : memref<256x128xf32, #tpu.memory_space<vmem>>) target_semaphore(%arg9 : memref<!tpu.dma_semaphore, #tpu.memory_space<semaphore_mem>>)
    %dma_wait3A_85 = arith.constant 0 : i32
    %dma_wait3A_86 = arith.constant 0 : i32
    %dma_wait3A_87 = tpu.memref_slice %arg2[%add3A_43, %dma_wait3A_85, %dma_wait3A_86] : memref<128x512x128xf32, #tpu.memory_space<hbm>> -> memref<1x256x128xf32, #tpu.memory_space<hbm>>
    %dma_wait3A_88 = tpu.memref_squeeze %dma_wait3A_87 : memref<1x256x128xf32, #tpu.memory_space<hbm>> -> memref<256x128xf32, #tpu.memory_space<hbm>>
    %dma_wait3A_89 = arith.constant 0 : i32
    %dma_wait3A_90 = arith.constant 0 : i32
    %dma_wait3A_91 = tpu.memref_slice %arg2[%add3A_43, %dma_wait3A_89, %dma_wait3A_90] : memref<128x512x128xf32, #tpu.memory_space<hbm>> -> memref<1x256x128xf32, #tpu.memory_space<hbm>>
    %dma_wait3A_92 = tpu.memref_squeeze %dma_wait3A_91 : memref<1x256x128xf32, #tpu.memory_space<hbm>> -> memref<256x128xf32, #tpu.memory_space<hbm>>
    tpu.wait_dma2 semaphore(%arg8 : memref<!tpu.dma_semaphore, #tpu.memory_space<semaphore_mem>>) src(%dma_wait3A_92 : memref<256x128xf32, #tpu.memory_space<hbm>>) dst(%arg4 : memref<256x128xf32, #tpu.memory_space<vmem>>)
    %dma_wait3A_93 = arith.constant 0 : i32
    %dma_wait3A_94 = arith.constant 0 : i32
    %dma_wait3A_95 = tpu.memref_slice %arg3[%add3A_33, %dma_wait3A_93, %dma_wait3A_94] : memref<128x512x64xf32, #tpu.memory_space<hbm>> -> memref<1x256x64xf32, #tpu.memory_space<hbm>>
    %dma_wait3A_96 = tpu.memref_squeeze %dma_wait3A_95 : memref<1x256x64xf32, #tpu.memory_space<hbm>> -> memref<256x64xf32, #tpu.memory_space<hbm>>
    %dma_wait3A_97 = arith.constant 0 : i32
    %dma_wait3A_98 = arith.constant 0 : i32
    %dma_wait3A_99 = tpu.memref_slice %arg3[%add3A_33, %dma_wait3A_97, %dma_wait3A_98] : memref<128x512x64xf32, #tpu.memory_space<hbm>> -> memref<1x256x64xf32, #tpu.memory_space<hbm>>
    %dma_wait3A_100 = tpu.memref_squeeze %dma_wait3A_99 : memref<1x256x64xf32, #tpu.memory_space<hbm>> -> memref<256x64xf32, #tpu.memory_space<hbm>>
    tpu.wait_dma2 semaphore(%arg10 : memref<!tpu.dma_semaphore, #tpu.memory_space<semaphore_mem>>) src(%arg6 : memref<256x64xf32, #tpu.memory_space<vmem>>) dst(%dma_wait3A_100 : memref<256x64xf32, #tpu.memory_space<hbm>>)
    %barrier3A_101 = arith.constant 0 : index
    tpu.barrier barrier_id(%barrier3A_101)
    %parallel_loop3A_102 = arith.constant 0 : i32
    %parallel_loop3A_103 = arith.constant 256 : i32
    %parallel_loop3A_104 = arith.constant 1 : i32
    scf.for %parallel_loop3A_327 = %parallel_loop3A_102 to %parallel_loop3A_103 step %parallel_loop3A_104  : i32 {
      %parallel_loop3A_328 = arith.index_cast %parallel_loop3A_327 : i32 to index
      %parallel_loop3A_329 = arith.constant 0 : index
      %parallel_loop3A_330 = tpu.vector_load %arg4[%parallel_loop3A_328, %parallel_loop3A_329] {strides = array<i32>} : memref<256x128xf32, #tpu.memory_space<vmem>>, vector<1x16xf32>,
      %parallel_loop3A_331 = vector.shape_cast %parallel_loop3A_330 : vector<1x16xf32> to vector<16xf32>
      %parallel_loop3A_332 = arith.index_cast %parallel_loop3A_327 : i32 to index
      %parallel_loop3A_333 = arith.constant 64 : index
      %parallel_loop3A_334 = tpu.vector_load %arg4[%parallel_loop3A_332, %parallel_loop3A_333] {strides = array<i32>} : memref<256x128xf32, #tpu.memory_space<vmem>>, vector<1x16xf32>,
      %parallel_loop3A_335 = vector.shape_cast %parallel_loop3A_334 : vector<1x16xf32> to vector<16xf32>
      %parallel_loop3A_336 = arith.maximumf %parallel_loop3A_331, %parallel_loop3A_335 : vector<16xf32>
      %parallel_loop3A_337 = arith.index_cast %parallel_loop3A_327 : i32 to index
      %parallel_loop3A_338 = arith.constant 0 : index
      %parallel_loop3A_339 = tpu.vector_load %arg6[%parallel_loop3A_337, %parallel_loop3A_338] {strides = array<i32>} : memref<256x64xf32, #tpu.memory_space<vmem>>, vector<1x16xf32>,
      %parallel_loop3A_340 = vector.shape_cast %parallel_loop3A_339 : vector<1x16xf32> to vector<16xf32>
      %parallel_loop3A_341 = vector.shape_cast %parallel_loop3A_336 : vector<16xf32> to vector<1x16xf32>
      tpu.vector_store %arg6[%parallel_loop3A_337, %parallel_loop3A_338], %parallel_loop3A_341 {strides = array<i32>} : memref<256x64xf32, #tpu.memory_space<vmem>>, vector<1x16xf32>,
      %parallel_loop3A_342 = arith.index_cast %parallel_loop3A_327 : i32 to index
      %parallel_loop3A_343 = arith.constant 16 : index
      %parallel_loop3A_344 = tpu.vector_load %arg4[%parallel_loop3A_342, %parallel_loop3A_343] {strides = array<i32>} : memref<256x128xf32, #tpu.memory_space<vmem>>, vector<1x16xf32>,
      %parallel_loop3A_345 = vector.shape_cast %parallel_loop3A_344 : vector<1x16xf32> to vector<16xf32>
      %parallel_loop3A_346 = arith.index_cast %parallel_loop3A_327 : i32 to index
      %parallel_loop3A_347 = arith.constant 80 : index
      %parallel_loop3A_348 = tpu.vector_load %arg4[%parallel_loop3A_346, %parallel_loop3A_347] {strides = array<i32>} : memref<256x128xf32, #tpu.memory_space<vmem>>, vector<1x16xf32>,
      %parallel_loop3A_349 = vector.shape_cast %parallel_loop3A_348 : vector<1x16xf32> to vector<16xf32>
      %parallel_loop3A_350 = arith.maximumf %parallel_loop3A_345, %parallel_loop3A_349 : vector<16xf32>
      %parallel_loop3A_351 = arith.index_cast %parallel_loop3A_327 : i32 to index
      %parallel_loop3A_352 = arith.constant 16 : index
      %parallel_loop3A_353 = tpu.vector_load %arg6[%parallel_loop3A_351, %parallel_loop3A_352] {strides = array<i32>} : memref<256x64xf32, #tpu.memory_space<vmem>>, vector<1x16xf32>,
      %parallel_loop3A_354 = vector.shape_cast %parallel_loop3A_353 : vector<1x16xf32> to vector<16xf32>
      %parallel_loop3A_355 = vector.shape_cast %parallel_loop3A_350 : vector<16xf32> to vector<1x16xf32>
      tpu.vector_store %arg6[%parallel_loop3A_351, %parallel_loop3A_352], %parallel_loop3A_355 {strides = array<i32>} : memref<256x64xf32, #tpu.memory_space<vmem>>, vector<1x16xf32>,
      %parallel_loop3A_356 = arith.index_cast %parallel_loop3A_327 : i32 to index
      %parallel_loop3A_357 = arith.constant 32 : index
      %parallel_loop3A_358 = tpu.vector_load %arg4[%parallel_loop3A_356, %parallel_loop3A_357] {strides = array<i32>} : memref<256x128xf32, #tpu.memory_space<vmem>>, vector<1x16xf32>,
      %parallel_loop3A_359 = vector.shape_cast %parallel_loop3A_358 : vector<1x16xf32> to vector<16xf32>
      %parallel_loop3A_360 = arith.index_cast %parallel_loop3A_327 : i32 to index
      %parallel_loop3A_361 = arith.constant 96 : index
      %parallel_loop3A_362 = tpu.vector_load %arg4[%parallel_loop3A_360, %parallel_loop3A_361] {strides = array<i32>} : memref<256x128xf32, #tpu.memory_space<vmem>>, vector<1x16xf32>,
      %parallel_loop3A_363 = vector.shape_cast %parallel_loop3A_362 : vector<1x16xf32> to vector<16xf32>
      %parallel_loop3A_364 = arith.maximumf %parallel_loop3A_359, %parallel_loop3A_363 : vector<16xf32>
      %parallel_loop3A_365 = arith.index_cast %parallel_loop3A_327 : i32 to index
      %parallel_loop3A_366 = arith.constant 32 : index
      %parallel_loop3A_367 = tpu.vector_load %arg6[%parallel_loop3A_365, %parallel_loop3A_366] {strides = array<i32>} : memref<256x64xf32, #tpu.memory_space<vmem>>, vector<1x16xf32>,
      %parallel_loop3A_368 = vector.shape_cast %parallel_loop3A_367 : vector<1x16xf32> to vector<16xf32>
      %parallel_loop3A_369 = vector.shape_cast %parallel_loop3A_364 : vector<16xf32> to vector<1x16xf32>
      tpu.vector_store %arg6[%parallel_loop3A_365, %parallel_loop3A_366], %parallel_loop3A_369 {strides = array<i32>} : memref<256x64xf32, #tpu.memory_space<vmem>>, vector<1x16xf32>,
      %parallel_loop3A_370 = arith.index_cast %parallel_loop3A_327 : i32 to index
      %parallel_loop3A_371 = arith.constant 48 : index
      %parallel_loop3A_372 = tpu.vector_load %arg4[%parallel_loop3A_370, %parallel_loop3A_371] {strides = array<i32>} : memref<256x128xf32, #tpu.memory_space<vmem>>, vector<1x16xf32>,
      %parallel_loop3A_373 = vector.shape_cast %parallel_loop3A_372 : vector<1x16xf32> to vector<16xf32>
      %parallel_loop3A_374 = arith.index_cast %parallel_loop3A_327 : i32 to index
      %parallel_loop3A_375 = arith.constant 112 : index
      %parallel_loop3A_376 = tpu.vector_load %arg4[%parallel_loop3A_374, %parallel_loop3A_375] {strides = array<i32>} : memref<256x128xf32, #tpu.memory_space<vmem>>, vector<1x16xf32>,
      %parallel_loop3A_377 = vector.shape_cast %parallel_loop3A_376 : vector<1x16xf32> to vector<16xf32>
      %parallel_loop3A_378 = arith.maximumf %parallel_loop3A_373, %parallel_loop3A_377 : vector<16xf32>
      %parallel_loop3A_379 = arith.index_cast %parallel_loop3A_327 : i32 to index
      %parallel_loop3A_380 = arith.constant 48 : index
      %parallel_loop3A_381 = tpu.vector_load %arg6[%parallel_loop3A_379, %parallel_loop3A_380] {strides = array<i32>} : memref<256x64xf32, #tpu.memory_space<vmem>>, vector<1x16xf32>,
      %parallel_loop3A_382 = vector.shape_cast %parallel_loop3A_381 : vector<1x16xf32> to vector<16xf32>
      %parallel_loop3A_383 = vector.shape_cast %parallel_loop3A_378 : vector<16xf32> to vector<1x16xf32>
      tpu.vector_store %arg6[%parallel_loop3A_379, %parallel_loop3A_380], %parallel_loop3A_383 {strides = array<i32>} : memref<256x64xf32, #tpu.memory_space<vmem>>, vector<1x16xf32>,
    } {sc.loop_unroll_factor = 4 : i64, sc.parallel_access}
    %barrier3A_105 = arith.constant 0 : index
    tpu.barrier barrier_id(%barrier3A_105)
    %add3A_106 = arith.constant 1 : i32
    %add3A_107 = arith.addi %mul3A_2, %add3A_106 : i32
    %dma_start3A_108 = arith.constant 0 : i32
    %dma_start3A_109 = arith.constant 0 : i32
    %dma_start3A_110 = tpu.memref_slice %arg3[%add3A_107, %dma_start3A_108, %dma_start3A_109] : memref<128x512x64xf32, #tpu.memory_space<hbm>> -> memref<1x256x64xf32, #tpu.memory_space<hbm>>
    %dma_start3A_111 = tpu.memref_squeeze %dma_start3A_110 : memref<1x256x64xf32, #tpu.memory_space<hbm>> -> memref<256x64xf32, #tpu.memory_space<hbm>>
    %dma_start3A_112 = arith.constant 0 : i32
    %dma_start3A_113 = arith.constant 0 : i32
    %dma_start3A_114 = tpu.memref_slice %arg3[%add3A_107, %dma_start3A_112, %dma_start3A_113] : memref<128x512x64xf32, #tpu.memory_space<hbm>> -> memref<1x256x64xf32, #tpu.memory_space<hbm>>
    %dma_start3A_115 = tpu.memref_squeeze %dma_start3A_114 : memref<1x256x64xf32, #tpu.memory_space<hbm>> -> memref<256x64xf32, #tpu.memory_space<hbm>>
    tpu.enqueue_dma source(%arg6 : memref<256x64xf32, #tpu.memory_space<vmem>>) target(%dma_start3A_115 : memref<256x64xf32, #tpu.memory_space<hbm>>) target_semaphore(%arg10 : memref<!tpu.dma_semaphore, #tpu.memory_space<semaphore_mem>>)
    %add3A_116 = arith.constant 2 : i32
    %add3A_117 = arith.addi %mul3A_2, %add3A_116 : i32
    %dma_start3A_118 = arith.constant 0 : i32
    %dma_start3A_119 = arith.constant 0 : i32
    %dma_start3A_120 = tpu.memref_slice %arg2[%add3A_117, %dma_start3A_118, %dma_start3A_119] : memref<128x512x128xf32, #tpu.memory_space<hbm>> -> memref<1x256x128xf32, #tpu.memory_space<hbm>>
    %dma_start3A_121 = tpu.memref_squeeze %dma_start3A_120 : memref<1x256x128xf32, #tpu.memory_space<hbm>> -> memref<256x128xf32, #tpu.memory_space<hbm>>
    %dma_start3A_122 = arith.constant 0 : i32
    %dma_start3A_123 = arith.constant 0 : i32
    %dma_start3A_124 = tpu.memref_slice %arg2[%add3A_117, %dma_start3A_122, %dma_start3A_123] : memref<128x512x128xf32, #tpu.memory_space<hbm>> -> memref<1x256x128xf32, #tpu.memory_space<hbm>>
    %dma_start3A_125 = tpu.memref_squeeze %dma_start3A_124 : memref<1x256x128xf32, #tpu.memory_space<hbm>> -> memref<256x128xf32, #tpu.memory_space<hbm>>
    tpu.enqueue_dma source(%dma_start3A_125 : memref<256x128xf32, #tpu.memory_space<hbm>>) target(%arg4 : memref<256x128xf32, #tpu.memory_space<vmem>>) target_semaphore(%arg8 : memref<!tpu.dma_semaphore, #tpu.memory_space<semaphore_mem>>)
    %dma_wait3A_126 = arith.constant 256 : i32
    %dma_wait3A_127 = arith.constant 0 : i32
    %dma_wait3A_128 = tpu.memref_slice %arg2[%add3A_76, %dma_wait3A_126, %dma_wait3A_127] : memref<128x512x128xf32, #tpu.memory_space<hbm>> -> memref<1x256x128xf32, #tpu.memory_space<hbm>>
    %dma_wait3A_129 = tpu.memref_squeeze %dma_wait3A_128 : memref<1x256x128xf32, #tpu.memory_space<hbm>> -> memref<256x128xf32, #tpu.memory_space<hbm>>
    %dma_wait3A_130 = arith.constant 256 : i32
    %dma_wait3A_131 = arith.constant 0 : i32
    %dma_wait3A_132 = tpu.memref_slice %arg2[%add3A_76, %dma_wait3A_130, %dma_wait3A_131] : memref<128x512x128xf32, #tpu.memory_space<hbm>> -> memref<1x256x128xf32, #tpu.memory_space<hbm>>
    %dma_wait3A_133 = tpu.memref_squeeze %dma_wait3A_132 : memref<1x256x128xf32, #tpu.memory_space<hbm>> -> memref<256x128xf32, #tpu.memory_space<hbm>>
    tpu.wait_dma2 semaphore(%arg9 : memref<!tpu.dma_semaphore, #tpu.memory_space<semaphore_mem>>) src(%dma_wait3A_133 : memref<256x128xf32, #tpu.memory_space<hbm>>) dst(%arg5 : memref<256x128xf32, #tpu.memory_space<vmem>>)
    %dma_wait3A_134 = arith.constant 256 : i32
    %dma_wait3A_135 = arith.constant 0 : i32
    %dma_wait3A_136 = tpu.memref_slice %arg3[%add3A_66, %dma_wait3A_134, %dma_wait3A_135] : memref<128x512x64xf32, #tpu.memory_space<hbm>> -> memref<1x256x64xf32, #tpu.memory_space<hbm>>
    %dma_wait3A_137 = tpu.memref_squeeze %dma_wait3A_136 : memref<1x256x64xf32, #tpu.memory_space<hbm>> -> memref<256x64xf32, #tpu.memory_space<hbm>>
    %dma_wait3A_138 = arith.constant 256 : i32
    %dma_wait3A_139 = arith.constant 0 : i32
    %dma_wait3A_140 = tpu.memref_slice %arg3[%add3A_66, %dma_wait3A_138, %dma_wait3A_139] : memref<128x512x64xf32, #tpu.memory_space<hbm>> -> memref<1x256x64xf32, #tpu.memory_space<hbm>>
    %dma_wait3A_141 = tpu.memref_squeeze %dma_wait3A_140 : memref<1x256x64xf32, #tpu.memory_space<hbm>> -> memref<256x64xf32, #tpu.memory_space<hbm>>
    tpu.wait_dma2 semaphore(%arg11 : memref<!tpu.dma_semaphore, #tpu.memory_space<semaphore_mem>>) src(%arg7 : memref<256x64xf32, #tpu.memory_space<vmem>>) dst(%dma_wait3A_141 : memref<256x64xf32, #tpu.memory_space<hbm>>)
    %barrier3A_142 = arith.constant 0 : index
    tpu.barrier barrier_id(%barrier3A_142)
    %parallel_loop3A_143 = arith.constant 0 : i32
    %parallel_loop3A_144 = arith.constant 256 : i32
    %parallel_loop3A_145 = arith.constant 1 : i32
    scf.for %parallel_loop3A_327 = %parallel_loop3A_143 to %parallel_loop3A_144 step %parallel_loop3A_145  : i32 {
      %parallel_loop3A_328 = arith.index_cast %parallel_loop3A_327 : i32 to index
      %parallel_loop3A_329 = arith.constant 0 : index
      %parallel_loop3A_330 = tpu.vector_load %arg5[%parallel_loop3A_328, %parallel_loop3A_329] {strides = array<i32>} : memref<256x128xf32, #tpu.memory_space<vmem>>, vector<1x16xf32>,
      %parallel_loop3A_331 = vector.shape_cast %parallel_loop3A_330 : vector<1x16xf32> to vector<16xf32>
      %parallel_loop3A_332 = arith.index_cast %parallel_loop3A_327 : i32 to index
      %parallel_loop3A_333 = arith.constant 64 : index
      %parallel_loop3A_334 = tpu.vector_load %arg5[%parallel_loop3A_332, %parallel_loop3A_333] {strides = array<i32>} : memref<256x128xf32, #tpu.memory_space<vmem>>, vector<1x16xf32>,
      %parallel_loop3A_335 = vector.shape_cast %parallel_loop3A_334 : vector<1x16xf32> to vector<16xf32>
      %parallel_loop3A_336 = arith.maximumf %parallel_loop3A_331, %parallel_loop3A_335 : vector<16xf32>
      %parallel_loop3A_337 = arith.index_cast %parallel_loop3A_327 : i32 to index
      %parallel_loop3A_338 = arith.constant 0 : index
      %parallel_loop3A_339 = tpu.vector_load %arg7[%parallel_loop3A_337, %parallel_loop3A_338] {strides = array<i32>} : memref<256x64xf32, #tpu.memory_space<vmem>>, vector<1x16xf32>,
      %parallel_loop3A_340 = vector.shape_cast %parallel_loop3A_339 : vector<1x16xf32> to vector<16xf32>
      %parallel_loop3A_341 = vector.shape_cast %parallel_loop3A_336 : vector<16xf32> to vector<1x16xf32>
      tpu.vector_store %arg7[%parallel_loop3A_337, %parallel_loop3A_338], %parallel_loop3A_341 {strides = array<i32>} : memref<256x64xf32, #tpu.memory_space<vmem>>, vector<1x16xf32>,
      %parallel_loop3A_342 = arith.index_cast %parallel_loop3A_327 : i32 to index
      %parallel_loop3A_343 = arith.constant 16 : index
      %parallel_loop3A_344 = tpu.vector_load %arg5[%parallel_loop3A_342, %parallel_loop3A_343] {strides = array<i32>} : memref<256x128xf32, #tpu.memory_space<vmem>>, vector<1x16xf32>,
      %parallel_loop3A_345 = vector.shape_cast %parallel_loop3A_344 : vector<1x16xf32> to vector<16xf32>
      %parallel_loop3A_346 = arith.index_cast %parallel_loop3A_327 : i32 to index
      %parallel_loop3A_347 = arith.constant 80 : index
      %parallel_loop3A_348 = tpu.vector_load %arg5[%parallel_loop3A_346, %parallel_loop3A_347] {strides = array<i32>} : memref<256x128xf32, #tpu.memory_space<vmem>>, vector<1x16xf32>,
      %parallel_loop3A_349 = vector.shape_cast %parallel_loop3A_348 : vector<1x16xf32> to vector<16xf32>
      %parallel_loop3A_350 = arith.maximumf %parallel_loop3A_345, %parallel_loop3A_349 : vector<16xf32>
      %parallel_loop3A_351 = arith.index_cast %parallel_loop3A_327 : i32 to index
      %parallel_loop3A_352 = arith.constant 16 : index
      %parallel_loop3A_353 = tpu.vector_load %arg7[%parallel_loop3A_351, %parallel_loop3A_352] {strides = array<i32>} : memref<256x64xf32, #tpu.memory_space<vmem>>, vector<1x16xf32>,
      %parallel_loop3A_354 = vector.shape_cast %parallel_loop3A_353 : vector<1x16xf32> to vector<16xf32>
      %parallel_loop3A_355 = vector.shape_cast %parallel_loop3A_350 : vector<16xf32> to vector<1x16xf32>
      tpu.vector_store %arg7[%parallel_loop3A_351, %parallel_loop3A_352], %parallel_loop3A_355 {strides = array<i32>} : memref<256x64xf32, #tpu.memory_space<vmem>>, vector<1x16xf32>,
      %parallel_loop3A_356 = arith.index_cast %parallel_loop3A_327 : i32 to index
      %parallel_loop3A_357 = arith.constant 32 : index
      %parallel_loop3A_358 = tpu.vector_load %arg5[%parallel_loop3A_356, %parallel_loop3A_357] {strides = array<i32>} : memref<256x128xf32, #tpu.memory_space<vmem>>, vector<1x16xf32>,
      %parallel_loop3A_359 = vector.shape_cast %parallel_loop3A_358 : vector<1x16xf32> to vector<16xf32>
      %parallel_loop3A_360 = arith.index_cast %parallel_loop3A_327 : i32 to index
      %parallel_loop3A_361 = arith.constant 96 : index
      %parallel_loop3A_362 = tpu.vector_load %arg5[%parallel_loop3A_360, %parallel_loop3A_361] {strides = array<i32>} : memref<256x128xf32, #tpu.memory_space<vmem>>, vector<1x16xf32>,
      %parallel_loop3A_363 = vector.shape_cast %parallel_loop3A_362 : vector<1x16xf32> to vector<16xf32>
      %parallel_loop3A_364 = arith.maximumf %parallel_loop3A_359, %parallel_loop3A_363 : vector<16xf32>
      %parallel_loop3A_365 = arith.index_cast %parallel_loop3A_327 : i32 to index
      %parallel_loop3A_366 = arith.constant 32 : index
      %parallel_loop3A_367 = tpu.vector_load %arg7[%parallel_loop3A_365, %parallel_loop3A_366] {strides = array<i32>} : memref<256x64xf32, #tpu.memory_space<vmem>>, vector<1x16xf32>,
      %parallel_loop3A_368 = vector.shape_cast %parallel_loop3A_367 : vector<1x16xf32> to vector<16xf32>
      %parallel_loop3A_369 = vector.shape_cast %parallel_loop3A_364 : vector<16xf32> to vector<1x16xf32>
      tpu.vector_store %arg7[%parallel_loop3A_365, %parallel_loop3A_366], %parallel_loop3A_369 {strides = array<i32>} : memref<256x64xf32, #tpu.memory_space<vmem>>, vector<1x16xf32>,
      %parallel_loop3A_370 = arith.index_cast %parallel_loop3A_327 : i32 to index
      %parallel_loop3A_371 = arith.constant 48 : index
      %parallel_loop3A_372 = tpu.vector_load %arg5[%parallel_loop3A_370, %parallel_loop3A_371] {strides = array<i32>} : memref<256x128xf32, #tpu.memory_space<vmem>>, vector<1x16xf32>,
      %parallel_loop3A_373 = vector.shape_cast %parallel_loop3A_372 : vector<1x16xf32> to vector<16xf32>
      %parallel_loop3A_374 = arith.index_cast %parallel_loop3A_327 : i32 to index
      %parallel_loop3A_375 = arith.constant 112 : index
      %parallel_loop3A_376 = tpu.vector_load %arg5[%parallel_loop3A_374, %parallel_loop3A_375] {strides = array<i32>} : memref<256x128xf32, #tpu.memory_space<vmem>>, vector<1x16xf32>,
      %parallel_loop3A_377 = vector.shape_cast %parallel_loop3A_376 : vector<1x16xf32> to vector<16xf32>
      %parallel_loop3A_378 = arith.maximumf %parallel_loop3A_373, %parallel_loop3A_377 : vector<16xf32>
      %parallel_loop3A_379 = arith.index_cast %parallel_loop3A_327 : i32 to index
      %parallel_loop3A_380 = arith.constant 48 : index
      %parallel_loop3A_381 = tpu.vector_load %arg7[%parallel_loop3A_379, %parallel_loop3A_380] {strides = array<i32>} : memref<256x64xf32, #tpu.memory_space<vmem>>, vector<1x16xf32>,
      %parallel_loop3A_382 = vector.shape_cast %parallel_loop3A_381 : vector<1x16xf32> to vector<16xf32>
      %parallel_loop3A_383 = vector.shape_cast %parallel_loop3A_378 : vector<16xf32> to vector<1x16xf32>
      tpu.vector_store %arg7[%parallel_loop3A_379, %parallel_loop3A_380], %parallel_loop3A_383 {strides = array<i32>} : memref<256x64xf32, #tpu.memory_space<vmem>>, vector<1x16xf32>,
    } {sc.loop_unroll_factor = 4 : i64, sc.parallel_access}
    %barrier3A_146 = arith.constant 0 : index
    tpu.barrier barrier_id(%barrier3A_146)
    %add3A_147 = arith.constant 1 : i32
    %add3A_148 = arith.addi %mul3A_2, %add3A_147 : i32
    %dma_start3A_149 = arith.constant 256 : i32
    %dma_start3A_150 = arith.constant 0 : i32
    %dma_start3A_151 = tpu.memref_slice %arg3[%add3A_148, %dma_start3A_149, %dma_start3A_150] : memref<128x512x64xf32, #tpu.memory_space<hbm>> -> memref<1x256x64xf32, #tpu.memory_space<hbm>>
    %dma_start3A_152 = tpu.memref_squeeze %dma_start3A_151 : memref<1x256x64xf32, #tpu.memory_space<hbm>> -> memref<256x64xf32, #tpu.memory_space<hbm>>
    %dma_start3A_153 = arith.constant 256 : i32
    %dma_start3A_154 = arith.constant 0 : i32
    %dma_start3A_155 = tpu.memref_slice %arg3[%add3A_148, %dma_start3A_153, %dma_start3A_154] : memref<128x512x64xf32, #tpu.memory_space<hbm>> -> memref<1x256x64xf32, #tpu.memory_space<hbm>>
    %dma_start3A_156 = tpu.memref_squeeze %dma_start3A_155 : memref<1x256x64xf32, #tpu.memory_space<hbm>> -> memref<256x64xf32, #tpu.memory_space<hbm>>
    tpu.enqueue_dma source(%arg7 : memref<256x64xf32, #tpu.memory_space<vmem>>) target(%dma_start3A_156 : memref<256x64xf32, #tpu.memory_space<hbm>>) target_semaphore(%arg11 : memref<!tpu.dma_semaphore, #tpu.memory_space<semaphore_mem>>)
    %add3A_157 = arith.constant 2 : i32
    %add3A_158 = arith.addi %mul3A_2, %add3A_157 : i32
    %dma_start3A_159 = arith.constant 256 : i32
    %dma_start3A_160 = arith.constant 0 : i32
    %dma_start3A_161 = tpu.memref_slice %arg2[%add3A_158, %dma_start3A_159, %dma_start3A_160] : memref<128x512x128xf32, #tpu.memory_space<hbm>> -> memref<1x256x128xf32, #tpu.memory_space<hbm>>
    %dma_start3A_162 = tpu.memref_squeeze %dma_start3A_161 : memref<1x256x128xf32, #tpu.memory_space<hbm>> -> memref<256x128xf32, #tpu.memory_space<hbm>>
    %dma_start3A_163 = arith.constant 256 : i32
    %dma_start3A_164 = arith.constant 0 : i32
    %dma_start3A_165 = tpu.memref_slice %arg2[%add3A_158, %dma_start3A_163, %dma_start3A_164] : memref<128x512x128xf32, #tpu.memory_space<hbm>> -> memref<1x256x128xf32, #tpu.memory_space<hbm>>
    %dma_start3A_166 = tpu.memref_squeeze %dma_start3A_165 : memref<1x256x128xf32, #tpu.memory_space<hbm>> -> memref<256x128xf32, #tpu.memory_space<hbm>>
    tpu.enqueue_dma source(%dma_start3A_166 : memref<256x128xf32, #tpu.memory_space<hbm>>) target(%arg5 : memref<256x128xf32, #tpu.memory_space<vmem>>) target_semaphore(%arg9 : memref<!tpu.dma_semaphore, #tpu.memory_space<semaphore_mem>>)
    %dma_wait3A_167 = arith.constant 0 : i32
    %dma_wait3A_168 = arith.constant 0 : i32
    %dma_wait3A_169 = tpu.memref_slice %arg2[%add3A_117, %dma_wait3A_167, %dma_wait3A_168] : memref<128x512x128xf32, #tpu.memory_space<hbm>> -> memref<1x256x128xf32, #tpu.memory_space<hbm>>
    %dma_wait3A_170 = tpu.memref_squeeze %dma_wait3A_169 : memref<1x256x128xf32, #tpu.memory_space<hbm>> -> memref<256x128xf32, #tpu.memory_space<hbm>>
    %dma_wait3A_171 = arith.constant 0 : i32
    %dma_wait3A_172 = arith.constant 0 : i32
    %dma_wait3A_173 = tpu.memref_slice %arg2[%add3A_117, %dma_wait3A_171, %dma_wait3A_172] : memref<128x512x128xf32, #tpu.memory_space<hbm>> -> memref<1x256x128xf32, #tpu.memory_space<hbm>>
    %dma_wait3A_174 = tpu.memref_squeeze %dma_wait3A_173 : memref<1x256x128xf32, #tpu.memory_space<hbm>> -> memref<256x128xf32, #tpu.memory_space<hbm>>
    tpu.wait_dma2 semaphore(%arg8 : memref<!tpu.dma_semaphore, #tpu.memory_space<semaphore_mem>>) src(%dma_wait3A_174 : memref<256x128xf32, #tpu.memory_space<hbm>>) dst(%arg4 : memref<256x128xf32, #tpu.memory_space<vmem>>)
    %dma_wait3A_175 = arith.constant 0 : i32
    %dma_wait3A_176 = arith.constant 0 : i32
    %dma_wait3A_177 = tpu.memref_slice %arg3[%add3A_107, %dma_wait3A_175, %dma_wait3A_176] : memref<128x512x64xf32, #tpu.memory_space<hbm>> -> memref<1x256x64xf32, #tpu.memory_space<hbm>>
    %dma_wait3A_178 = tpu.memref_squeeze %dma_wait3A_177 : memref<1x256x64xf32, #tpu.memory_space<hbm>> -> memref<256x64xf32, #tpu.memory_space<hbm>>
    %dma_wait3A_179 = arith.constant 0 : i32
    %dma_wait3A_180 = arith.constant 0 : i32
    %dma_wait3A_181 = tpu.memref_slice %arg3[%add3A_107, %dma_wait3A_179, %dma_wait3A_180] : memref<128x512x64xf32, #tpu.memory_space<hbm>> -> memref<1x256x64xf32, #tpu.memory_space<hbm>>
    %dma_wait3A_182 = tpu.memref_squeeze %dma_wait3A_181 : memref<1x256x64xf32, #tpu.memory_space<hbm>> -> memref<256x64xf32, #tpu.memory_space<hbm>>
    tpu.wait_dma2 semaphore(%arg10 : memref<!tpu.dma_semaphore, #tpu.memory_space<semaphore_mem>>) src(%arg6 : memref<256x64xf32, #tpu.memory_space<vmem>>) dst(%dma_wait3A_182 : memref<256x64xf32, #tpu.memory_space<hbm>>)
    %barrier3A_183 = arith.constant 0 : index
    tpu.barrier barrier_id(%barrier3A_183)
    %parallel_loop3A_184 = arith.constant 0 : i32
    %parallel_loop3A_185 = arith.constant 256 : i32
    %parallel_loop3A_186 = arith.constant 1 : i32
    scf.for %parallel_loop3A_327 = %parallel_loop3A_184 to %parallel_loop3A_185 step %parallel_loop3A_186  : i32 {
      %parallel_loop3A_328 = arith.index_cast %parallel_loop3A_327 : i32 to index
      %parallel_loop3A_329 = arith.constant 0 : index
      %parallel_loop3A_330 = tpu.vector_load %arg4[%parallel_loop3A_328, %parallel_loop3A_329] {strides = array<i32>} : memref<256x128xf32, #tpu.memory_space<vmem>>, vector<1x16xf32>,
      %parallel_loop3A_331 = vector.shape_cast %parallel_loop3A_330 : vector<1x16xf32> to vector<16xf32>
      %parallel_loop3A_332 = arith.index_cast %parallel_loop3A_327 : i32 to index
      %parallel_loop3A_333 = arith.constant 64 : index
      %parallel_loop3A_334 = tpu.vector_load %arg4[%parallel_loop3A_332, %parallel_loop3A_333] {strides = array<i32>} : memref<256x128xf32, #tpu.memory_space<vmem>>, vector<1x16xf32>,
      %parallel_loop3A_335 = vector.shape_cast %parallel_loop3A_334 : vector<1x16xf32> to vector<16xf32>
      %parallel_loop3A_336 = arith.maximumf %parallel_loop3A_331, %parallel_loop3A_335 : vector<16xf32>
      %parallel_loop3A_337 = arith.index_cast %parallel_loop3A_327 : i32 to index
      %parallel_loop3A_338 = arith.constant 0 : index
      %parallel_loop3A_339 = tpu.vector_load %arg6[%parallel_loop3A_337, %parallel_loop3A_338] {strides = array<i32>} : memref<256x64xf32, #tpu.memory_space<vmem>>, vector<1x16xf32>,
      %parallel_loop3A_340 = vector.shape_cast %parallel_loop3A_339 : vector<1x16xf32> to vector<16xf32>
      %parallel_loop3A_341 = vector.shape_cast %parallel_loop3A_336 : vector<16xf32> to vector<1x16xf32>
      tpu.vector_store %arg6[%parallel_loop3A_337, %parallel_loop3A_338], %parallel_loop3A_341 {strides = array<i32>} : memref<256x64xf32, #tpu.memory_space<vmem>>, vector<1x16xf32>,
      %parallel_loop3A_342 = arith.index_cast %parallel_loop3A_327 : i32 to index
      %parallel_loop3A_343 = arith.constant 16 : index
      %parallel_loop3A_344 = tpu.vector_load %arg4[%parallel_loop3A_342, %parallel_loop3A_343] {strides = array<i32>} : memref<256x128xf32, #tpu.memory_space<vmem>>, vector<1x16xf32>,
      %parallel_loop3A_345 = vector.shape_cast %parallel_loop3A_344 : vector<1x16xf32> to vector<16xf32>
      %parallel_loop3A_346 = arith.index_cast %parallel_loop3A_327 : i32 to index
      %parallel_loop3A_347 = arith.constant 80 : index
      %parallel_loop3A_348 = tpu.vector_load %arg4[%parallel_loop3A_346, %parallel_loop3A_347] {strides = array<i32>} : memref<256x128xf32, #tpu.memory_space<vmem>>, vector<1x16xf32>,
      %parallel_loop3A_349 = vector.shape_cast %parallel_loop3A_348 : vector<1x16xf32> to vector<16xf32>
      %parallel_loop3A_350 = arith.maximumf %parallel_loop3A_345, %parallel_loop3A_349 : vector<16xf32>
      %parallel_loop3A_351 = arith.index_cast %parallel_loop3A_327 : i32 to index
      %parallel_loop3A_352 = arith.constant 16 : index
      %parallel_loop3A_353 = tpu.vector_load %arg6[%parallel_loop3A_351, %parallel_loop3A_352] {strides = array<i32>} : memref<256x64xf32, #tpu.memory_space<vmem>>, vector<1x16xf32>,
      %parallel_loop3A_354 = vector.shape_cast %parallel_loop3A_353 : vector<1x16xf32> to vector<16xf32>
      %parallel_loop3A_355 = vector.shape_cast %parallel_loop3A_350 : vector<16xf32> to vector<1x16xf32>
      tpu.vector_store %arg6[%parallel_loop3A_351, %parallel_loop3A_352], %parallel_loop3A_355 {strides = array<i32>} : memref<256x64xf32, #tpu.memory_space<vmem>>, vector<1x16xf32>,
      %parallel_loop3A_356 = arith.index_cast %parallel_loop3A_327 : i32 to index
      %parallel_loop3A_357 = arith.constant 32 : index
      %parallel_loop3A_358 = tpu.vector_load %arg4[%parallel_loop3A_356, %parallel_loop3A_357] {strides = array<i32>} : memref<256x128xf32, #tpu.memory_space<vmem>>, vector<1x16xf32>,
      %parallel_loop3A_359 = vector.shape_cast %parallel_loop3A_358 : vector<1x16xf32> to vector<16xf32>
      %parallel_loop3A_360 = arith.index_cast %parallel_loop3A_327 : i32 to index
      %parallel_loop3A_361 = arith.constant 96 : index
      %parallel_loop3A_362 = tpu.vector_load %arg4[%parallel_loop3A_360, %parallel_loop3A_361] {strides = array<i32>} : memref<256x128xf32, #tpu.memory_space<vmem>>, vector<1x16xf32>,
      %parallel_loop3A_363 = vector.shape_cast %parallel_loop3A_362 : vector<1x16xf32> to vector<16xf32>
      %parallel_loop3A_364 = arith.maximumf %parallel_loop3A_359, %parallel_loop3A_363 : vector<16xf32>
      %parallel_loop3A_365 = arith.index_cast %parallel_loop3A_327 : i32 to index
      %parallel_loop3A_366 = arith.constant 32 : index
      %parallel_loop3A_367 = tpu.vector_load %arg6[%parallel_loop3A_365, %parallel_loop3A_366] {strides = array<i32>} : memref<256x64xf32, #tpu.memory_space<vmem>>, vector<1x16xf32>,
      %parallel_loop3A_368 = vector.shape_cast %parallel_loop3A_367 : vector<1x16xf32> to vector<16xf32>
      %parallel_loop3A_369 = vector.shape_cast %parallel_loop3A_364 : vector<16xf32> to vector<1x16xf32>
      tpu.vector_store %arg6[%parallel_loop3A_365, %parallel_loop3A_366], %parallel_loop3A_369 {strides = array<i32>} : memref<256x64xf32, #tpu.memory_space<vmem>>, vector<1x16xf32>,
      %parallel_loop3A_370 = arith.index_cast %parallel_loop3A_327 : i32 to index
      %parallel_loop3A_371 = arith.constant 48 : index
      %parallel_loop3A_372 = tpu.vector_load %arg4[%parallel_loop3A_370, %parallel_loop3A_371] {strides = array<i32>} : memref<256x128xf32, #tpu.memory_space<vmem>>, vector<1x16xf32>,
      %parallel_loop3A_373 = vector.shape_cast %parallel_loop3A_372 : vector<1x16xf32> to vector<16xf32>
      %parallel_loop3A_374 = arith.index_cast %parallel_loop3A_327 : i32 to index
      %parallel_loop3A_375 = arith.constant 112 : index
      %parallel_loop3A_376 = tpu.vector_load %arg4[%parallel_loop3A_374, %parallel_loop3A_375] {strides = array<i32>} : memref<256x128xf32, #tpu.memory_space<vmem>>, vector<1x16xf32>,
      %parallel_loop3A_377 = vector.shape_cast %parallel_loop3A_376 : vector<1x16xf32> to vector<16xf32>
      %parallel_loop3A_378 = arith.maximumf %parallel_loop3A_373, %parallel_loop3A_377 : vector<16xf32>
      %parallel_loop3A_379 = arith.index_cast %parallel_loop3A_327 : i32 to index
      %parallel_loop3A_380 = arith.constant 48 : index
      %parallel_loop3A_381 = tpu.vector_load %arg6[%parallel_loop3A_379, %parallel_loop3A_380] {strides = array<i32>} : memref<256x64xf32, #tpu.memory_space<vmem>>, vector<1x16xf32>,
      %parallel_loop3A_382 = vector.shape_cast %parallel_loop3A_381 : vector<1x16xf32> to vector<16xf32>
      %parallel_loop3A_383 = vector.shape_cast %parallel_loop3A_378 : vector<16xf32> to vector<1x16xf32>
      tpu.vector_store %arg6[%parallel_loop3A_379, %parallel_loop3A_380], %parallel_loop3A_383 {strides = array<i32>} : memref<256x64xf32, #tpu.memory_space<vmem>>, vector<1x16xf32>,
    } {sc.loop_unroll_factor = 4 : i64, sc.parallel_access}
    %barrier3A_187 = arith.constant 0 : index
    tpu.barrier barrier_id(%barrier3A_187)
    %add3A_188 = arith.constant 2 : i32
    %add3A_189 = arith.addi %mul3A_2, %add3A_188 : i32
    %dma_start3A_190 = arith.constant 0 : i32
    %dma_start3A_191 = arith.constant 0 : i32
    %dma_start3A_192 = tpu.memref_slice %arg3[%add3A_189, %dma_start3A_190, %dma_start3A_191] : memref<128x512x64xf32, #tpu.memory_space<hbm>> -> memref<1x256x64xf32, #tpu.memory_space<hbm>>
    %dma_start3A_193 = tpu.memref_squeeze %dma_start3A_192 : memref<1x256x64xf32, #tpu.memory_space<hbm>> -> memref<256x64xf32, #tpu.memory_space<hbm>>
    %dma_start3A_194 = arith.constant 0 : i32
    %dma_start3A_195 = arith.constant 0 : i32
    %dma_start3A_196 = tpu.memref_slice %arg3[%add3A_189, %dma_start3A_194, %dma_start3A_195] : memref<128x512x64xf32, #tpu.memory_space<hbm>> -> memref<1x256x64xf32, #tpu.memory_space<hbm>>
    %dma_start3A_197 = tpu.memref_squeeze %dma_start3A_196 : memref<1x256x64xf32, #tpu.memory_space<hbm>> -> memref<256x64xf32, #tpu.memory_space<hbm>>
    tpu.enqueue_dma source(%arg6 : memref<256x64xf32, #tpu.memory_space<vmem>>) target(%dma_start3A_197 : memref<256x64xf32, #tpu.memory_space<hbm>>) target_semaphore(%arg10 : memref<!tpu.dma_semaphore, #tpu.memory_space<semaphore_mem>>)
    %add3A_198 = arith.constant 3 : i32
    %add3A_199 = arith.addi %mul3A_2, %add3A_198 : i32
    %dma_start3A_200 = arith.constant 0 : i32
    %dma_start3A_201 = arith.constant 0 : i32
    %dma_start3A_202 = tpu.memref_slice %arg2[%add3A_199, %dma_start3A_200, %dma_start3A_201] : memref<128x512x128xf32, #tpu.memory_space<hbm>> -> memref<1x256x128xf32, #tpu.memory_space<hbm>>
    %dma_start3A_203 = tpu.memref_squeeze %dma_start3A_202 : memref<1x256x128xf32, #tpu.memory_space<hbm>> -> memref<256x128xf32, #tpu.memory_space<hbm>>
    %dma_start3A_204 = arith.constant 0 : i32
    %dma_start3A_205 = arith.constant 0 : i32
    %dma_start3A_206 = tpu.memref_slice %arg2[%add3A_199, %dma_start3A_204, %dma_start3A_205] : memref<128x512x128xf32, #tpu.memory_space<hbm>> -> memref<1x256x128xf32, #tpu.memory_space<hbm>>
    %dma_start3A_207 = tpu.memref_squeeze %dma_start3A_206 : memref<1x256x128xf32, #tpu.memory_space<hbm>> -> memref<256x128xf32, #tpu.memory_space<hbm>>
    tpu.enqueue_dma source(%dma_start3A_207 : memref<256x128xf32, #tpu.memory_space<hbm>>) target(%arg4 : memref<256x128xf32, #tpu.memory_space<vmem>>) target_semaphore(%arg8 : memref<!tpu.dma_semaphore, #tpu.memory_space<semaphore_mem>>)
    %dma_wait3A_208 = arith.constant 256 : i32
    %dma_wait3A_209 = arith.constant 0 : i32
    %dma_wait3A_210 = tpu.memref_slice %arg2[%add3A_158, %dma_wait3A_208, %dma_wait3A_209] : memref<128x512x128xf32, #tpu.memory_space<hbm>> -> memref<1x256x128xf32, #tpu.memory_space<hbm>>
    %dma_wait3A_211 = tpu.memref_squeeze %dma_wait3A_210 : memref<1x256x128xf32, #tpu.memory_space<hbm>> -> memref<256x128xf32, #tpu.memory_space<hbm>>
    %dma_wait3A_212 = arith.constant 256 : i32
    %dma_wait3A_213 = arith.constant 0 : i32
    %dma_wait3A_214 = tpu.memref_slice %arg2[%add3A_158, %dma_wait3A_212, %dma_wait3A_213] : memref<128x512x128xf32, #tpu.memory_space<hbm>> -> memref<1x256x128xf32, #tpu.memory_space<hbm>>
    %dma_wait3A_215 = tpu.memref_squeeze %dma_wait3A_214 : memref<1x256x128xf32, #tpu.memory_space<hbm>> -> memref<256x128xf32, #tpu.memory_space<hbm>>
    tpu.wait_dma2 semaphore(%arg9 : memref<!tpu.dma_semaphore, #tpu.memory_space<semaphore_mem>>) src(%dma_wait3A_215 : memref<256x128xf32, #tpu.memory_space<hbm>>) dst(%arg5 : memref<256x128xf32, #tpu.memory_space<vmem>>)
    %dma_wait3A_216 = arith.constant 256 : i32
    %dma_wait3A_217 = arith.constant 0 : i32
    %dma_wait3A_218 = tpu.memref_slice %arg3[%add3A_148, %dma_wait3A_216, %dma_wait3A_217] : memref<128x512x64xf32, #tpu.memory_space<hbm>> -> memref<1x256x64xf32, #tpu.memory_space<hbm>>
    %dma_wait3A_219 = tpu.memref_squeeze %dma_wait3A_218 : memref<1x256x64xf32, #tpu.memory_space<hbm>> -> memref<256x64xf32, #tpu.memory_space<hbm>>
    %dma_wait3A_220 = arith.constant 256 : i32
    %dma_wait3A_221 = arith.constant 0 : i32
    %dma_wait3A_222 = tpu.memref_slice %arg3[%add3A_148, %dma_wait3A_220, %dma_wait3A_221] : memref<128x512x64xf32, #tpu.memory_space<hbm>> -> memref<1x256x64xf32, #tpu.memory_space<hbm>>
    %dma_wait3A_223 = tpu.memref_squeeze %dma_wait3A_222 : memref<1x256x64xf32, #tpu.memory_space<hbm>> -> memref<256x64xf32, #tpu.memory_space<hbm>>
    tpu.wait_dma2 semaphore(%arg11 : memref<!tpu.dma_semaphore, #tpu.memory_space<semaphore_mem>>) src(%arg7 : memref<256x64xf32, #tpu.memory_space<vmem>>) dst(%dma_wait3A_223 : memref<256x64xf32, #tpu.memory_space<hbm>>)
    %barrier3A_224 = arith.constant 0 : index
    tpu.barrier barrier_id(%barrier3A_224)
    %parallel_loop3A_225 = arith.constant 0 : i32
    %parallel_loop3A_226 = arith.constant 256 : i32
    %parallel_loop3A_227 = arith.constant 1 : i32
    scf.for %parallel_loop3A_327 = %parallel_loop3A_225 to %parallel_loop3A_226 step %parallel_loop3A_227  : i32 {
      %parallel_loop3A_328 = arith.index_cast %parallel_loop3A_327 : i32 to index
      %parallel_loop3A_329 = arith.constant 0 : index
      %parallel_loop3A_330 = tpu.vector_load %arg5[%parallel_loop3A_328, %parallel_loop3A_329] {strides = array<i32>} : memref<256x128xf32, #tpu.memory_space<vmem>>, vector<1x16xf32>,
      %parallel_loop3A_331 = vector.shape_cast %parallel_loop3A_330 : vector<1x16xf32> to vector<16xf32>
      %parallel_loop3A_332 = arith.index_cast %parallel_loop3A_327 : i32 to index
      %parallel_loop3A_333 = arith.constant 64 : index
      %parallel_loop3A_334 = tpu.vector_load %arg5[%parallel_loop3A_332, %parallel_loop3A_333] {strides = array<i32>} : memref<256x128xf32, #tpu.memory_space<vmem>>, vector<1x16xf32>,
      %parallel_loop3A_335 = vector.shape_cast %parallel_loop3A_334 : vector<1x16xf32> to vector<16xf32>
      %parallel_loop3A_336 = arith.maximumf %parallel_loop3A_331, %parallel_loop3A_335 : vector<16xf32>
      %parallel_loop3A_337 = arith.index_cast %parallel_loop3A_327 : i32 to index
      %parallel_loop3A_338 = arith.constant 0 : index
      %parallel_loop3A_339 = tpu.vector_load %arg7[%parallel_loop3A_337, %parallel_loop3A_338] {strides = array<i32>} : memref<256x64xf32, #tpu.memory_space<vmem>>, vector<1x16xf32>,
      %parallel_loop3A_340 = vector.shape_cast %parallel_loop3A_339 : vector<1x16xf32> to vector<16xf32>
      %parallel_loop3A_341 = vector.shape_cast %parallel_loop3A_336 : vector<16xf32> to vector<1x16xf32>
      tpu.vector_store %arg7[%parallel_loop3A_337, %parallel_loop3A_338], %parallel_loop3A_341 {strides = array<i32>} : memref<256x64xf32, #tpu.memory_space<vmem>>, vector<1x16xf32>,
      %parallel_loop3A_342 = arith.index_cast %parallel_loop3A_327 : i32 to index
      %parallel_loop3A_343 = arith.constant 16 : index
      %parallel_loop3A_344 = tpu.vector_load %arg5[%parallel_loop3A_342, %parallel_loop3A_343] {strides = array<i32>} : memref<256x128xf32, #tpu.memory_space<vmem>>, vector<1x16xf32>,
      %parallel_loop3A_345 = vector.shape_cast %parallel_loop3A_344 : vector<1x16xf32> to vector<16xf32>
      %parallel_loop3A_346 = arith.index_cast %parallel_loop3A_327 : i32 to index
      %parallel_loop3A_347 = arith.constant 80 : index
      %parallel_loop3A_348 = tpu.vector_load %arg5[%parallel_loop3A_346, %parallel_loop3A_347] {strides = array<i32>} : memref<256x128xf32, #tpu.memory_space<vmem>>, vector<1x16xf32>,
      %parallel_loop3A_349 = vector.shape_cast %parallel_loop3A_348 : vector<1x16xf32> to vector<16xf32>
      %parallel_loop3A_350 = arith.maximumf %parallel_loop3A_345, %parallel_loop3A_349 : vector<16xf32>
      %parallel_loop3A_351 = arith.index_cast %parallel_loop3A_327 : i32 to index
      %parallel_loop3A_352 = arith.constant 16 : index
      %parallel_loop3A_353 = tpu.vector_load %arg7[%parallel_loop3A_351, %parallel_loop3A_352] {strides = array<i32>} : memref<256x64xf32, #tpu.memory_space<vmem>>, vector<1x16xf32>,
      %parallel_loop3A_354 = vector.shape_cast %parallel_loop3A_353 : vector<1x16xf32> to vector<16xf32>
      %parallel_loop3A_355 = vector.shape_cast %parallel_loop3A_350 : vector<16xf32> to vector<1x16xf32>
      tpu.vector_store %arg7[%parallel_loop3A_351, %parallel_loop3A_352], %parallel_loop3A_355 {strides = array<i32>} : memref<256x64xf32, #tpu.memory_space<vmem>>, vector<1x16xf32>,
      %parallel_loop3A_356 = arith.index_cast %parallel_loop3A_327 : i32 to index
      %parallel_loop3A_357 = arith.constant 32 : index
      %parallel_loop3A_358 = tpu.vector_load %arg5[%parallel_loop3A_356, %parallel_loop3A_357] {strides = array<i32>} : memref<256x128xf32, #tpu.memory_space<vmem>>, vector<1x16xf32>,
      %parallel_loop3A_359 = vector.shape_cast %parallel_loop3A_358 : vector<1x16xf32> to vector<16xf32>
      %parallel_loop3A_360 = arith.index_cast %parallel_loop3A_327 : i32 to index
      %parallel_loop3A_361 = arith.constant 96 : index
      %parallel_loop3A_362 = tpu.vector_load %arg5[%parallel_loop3A_360, %parallel_loop3A_361] {strides = array<i32>} : memref<256x128xf32, #tpu.memory_space<vmem>>, vector<1x16xf32>,
      %parallel_loop3A_363 = vector.shape_cast %parallel_loop3A_362 : vector<1x16xf32> to vector<16xf32>
      %parallel_loop3A_364 = arith.maximumf %parallel_loop3A_359, %parallel_loop3A_363 : vector<16xf32>
      %parallel_loop3A_365 = arith.index_cast %parallel_loop3A_327 : i32 to index
      %parallel_loop3A_366 = arith.constant 32 : index
      %parallel_loop3A_367 = tpu.vector_load %arg7[%parallel_loop3A_365, %parallel_loop3A_366] {strides = array<i32>} : memref<256x64xf32, #tpu.memory_space<vmem>>, vector<1x16xf32>,
      %parallel_loop3A_368 = vector.shape_cast %parallel_loop3A_367 : vector<1x16xf32> to vector<16xf32>
      %parallel_loop3A_369 = vector.shape_cast %parallel_loop3A_364 : vector<16xf32> to vector<1x16xf32>
      tpu.vector_store %arg7[%parallel_loop3A_365, %parallel_loop3A_366], %parallel_loop3A_369 {strides = array<i32>} : memref<256x64xf32, #tpu.memory_space<vmem>>, vector<1x16xf32>,
      %parallel_loop3A_370 = arith.index_cast %parallel_loop3A_327 : i32 to index
      %parallel_loop3A_371 = arith.constant 48 : index
      %parallel_loop3A_372 = tpu.vector_load %arg5[%parallel_loop3A_370, %parallel_loop3A_371] {strides = array<i32>} : memref<256x128xf32, #tpu.memory_space<vmem>>, vector<1x16xf32>,
      %parallel_loop3A_373 = vector.shape_cast %parallel_loop3A_372 : vector<1x16xf32> to vector<16xf32>
      %parallel_loop3A_374 = arith.index_cast %parallel_loop3A_327 : i32 to index
      %parallel_loop3A_375 = arith.constant 112 : index
      %parallel_loop3A_376 = tpu.vector_load %arg5[%parallel_loop3A_374, %parallel_loop3A_375] {strides = array<i32>} : memref<256x128xf32, #tpu.memory_space<vmem>>, vector<1x16xf32>,
      %parallel_loop3A_377 = vector.shape_cast %parallel_loop3A_376 : vector<1x16xf32> to vector<16xf32>
      %parallel_loop3A_378 = arith.maximumf %parallel_loop3A_373, %parallel_loop3A_377 : vector<16xf32>
      %parallel_loop3A_379 = arith.index_cast %parallel_loop3A_327 : i32 to index
      %parallel_loop3A_380 = arith.constant 48 : index
      %parallel_loop3A_381 = tpu.vector_load %arg7[%parallel_loop3A_379, %parallel_loop3A_380] {strides = array<i32>} : memref<256x64xf32, #tpu.memory_space<vmem>>, vector<1x16xf32>,
      %parallel_loop3A_382 = vector.shape_cast %parallel_loop3A_381 : vector<1x16xf32> to vector<16xf32>
      %parallel_loop3A_383 = vector.shape_cast %parallel_loop3A_378 : vector<16xf32> to vector<1x16xf32>
      tpu.vector_store %arg7[%parallel_loop3A_379, %parallel_loop3A_380], %parallel_loop3A_383 {strides = array<i32>} : memref<256x64xf32, #tpu.memory_space<vmem>>, vector<1x16xf32>,
    } {sc.loop_unroll_factor = 4 : i64, sc.parallel_access}
    %barrier3A_228 = arith.constant 0 : index
    tpu.barrier barrier_id(%barrier3A_228)
    %add3A_229 = arith.constant 2 : i32
    %add3A_230 = arith.addi %mul3A_2, %add3A_229 : i32
    %dma_start3A_231 = arith.constant 256 : i32
    %dma_start3A_232 = arith.constant 0 : i32
    %dma_start3A_233 = tpu.memref_slice %arg3[%add3A_230, %dma_start3A_231, %dma_start3A_232] : memref<128x512x64xf32, #tpu.memory_space<hbm>> -> memref<1x256x64xf32, #tpu.memory_space<hbm>>
    %dma_start3A_234 = tpu.memref_squeeze %dma_start3A_233 : memref<1x256x64xf32, #tpu.memory_space<hbm>> -> memref<256x64xf32, #tpu.memory_space<hbm>>
    %dma_start3A_235 = arith.constant 256 : i32
    %dma_start3A_236 = arith.constant 0 : i32
    %dma_start3A_237 = tpu.memref_slice %arg3[%add3A_230, %dma_start3A_235, %dma_start3A_236] : memref<128x512x64xf32, #tpu.memory_space<hbm>> -> memref<1x256x64xf32, #tpu.memory_space<hbm>>
    %dma_start3A_238 = tpu.memref_squeeze %dma_start3A_237 : memref<1x256x64xf32, #tpu.memory_space<hbm>> -> memref<256x64xf32, #tpu.memory_space<hbm>>
    tpu.enqueue_dma source(%arg7 : memref<256x64xf32, #tpu.memory_space<vmem>>) target(%dma_start3A_238 : memref<256x64xf32, #tpu.memory_space<hbm>>) target_semaphore(%arg11 : memref<!tpu.dma_semaphore, #tpu.memory_space<semaphore_mem>>)
    %add3A_239 = arith.constant 3 : i32
    %add3A_240 = arith.addi %mul3A_2, %add3A_239 : i32
    %dma_start3A_241 = arith.constant 256 : i32
    %dma_start3A_242 = arith.constant 0 : i32
    %dma_start3A_243 = tpu.memref_slice %arg2[%add3A_240, %dma_start3A_241, %dma_start3A_242] : memref<128x512x128xf32, #tpu.memory_space<hbm>> -> memref<1x256x128xf32, #tpu.memory_space<hbm>>
    %dma_start3A_244 = tpu.memref_squeeze %dma_start3A_243 : memref<1x256x128xf32, #tpu.memory_space<hbm>> -> memref<256x128xf32, #tpu.memory_space<hbm>>
    %dma_start3A_245 = arith.constant 256 : i32
    %dma_start3A_246 = arith.constant 0 : i32
    %dma_start3A_247 = tpu.memref_slice %arg2[%add3A_240, %dma_start3A_245, %dma_start3A_246] : memref<128x512x128xf32, #tpu.memory_space<hbm>> -> memref<1x256x128xf32, #tpu.memory_space<hbm>>
    %dma_start3A_248 = tpu.memref_squeeze %dma_start3A_247 : memref<1x256x128xf32, #tpu.memory_space<hbm>> -> memref<256x128xf32, #tpu.memory_space<hbm>>
    tpu.enqueue_dma source(%dma_start3A_248 : memref<256x128xf32, #tpu.memory_space<hbm>>) target(%arg5 : memref<256x128xf32, #tpu.memory_space<vmem>>) target_semaphore(%arg9 : memref<!tpu.dma_semaphore, #tpu.memory_space<semaphore_mem>>)
    %dma_wait3A_249 = arith.constant 0 : i32
    %dma_wait3A_250 = arith.constant 0 : i32
    %dma_wait3A_251 = tpu.memref_slice %arg2[%add3A_199, %dma_wait3A_249, %dma_wait3A_250] : memref<128x512x128xf32, #tpu.memory_space<hbm>> -> memref<1x256x128xf32, #tpu.memory_space<hbm>>
    %dma_wait3A_252 = tpu.memref_squeeze %dma_wait3A_251 : memref<1x256x128xf32, #tpu.memory_space<hbm>> -> memref<256x128xf32, #tpu.memory_space<hbm>>
    %dma_wait3A_253 = arith.constant 0 : i32
    %dma_wait3A_254 = arith.constant 0 : i32
    %dma_wait3A_255 = tpu.memref_slice %arg2[%add3A_199, %dma_wait3A_253, %dma_wait3A_254] : memref<128x512x128xf32, #tpu.memory_space<hbm>> -> memref<1x256x128xf32, #tpu.memory_space<hbm>>
    %dma_wait3A_256 = tpu.memref_squeeze %dma_wait3A_255 : memref<1x256x128xf32, #tpu.memory_space<hbm>> -> memref<256x128xf32, #tpu.memory_space<hbm>>
    tpu.wait_dma2 semaphore(%arg8 : memref<!tpu.dma_semaphore, #tpu.memory_space<semaphore_mem>>) src(%dma_wait3A_256 : memref<256x128xf32, #tpu.memory_space<hbm>>) dst(%arg4 : memref<256x128xf32, #tpu.memory_space<vmem>>)
    %dma_wait3A_257 = arith.constant 0 : i32
    %dma_wait3A_258 = arith.constant 0 : i32
    %dma_wait3A_259 = tpu.memref_slice %arg3[%add3A_189, %dma_wait3A_257, %dma_wait3A_258] : memref<128x512x64xf32, #tpu.memory_space<hbm>> -> memref<1x256x64xf32, #tpu.memory_space<hbm>>
    %dma_wait3A_260 = tpu.memref_squeeze %dma_wait3A_259 : memref<1x256x64xf32, #tpu.memory_space<hbm>> -> memref<256x64xf32, #tpu.memory_space<hbm>>
    %dma_wait3A_261 = arith.constant 0 : i32
    %dma_wait3A_262 = arith.constant 0 : i32
    %dma_wait3A_263 = tpu.memref_slice %arg3[%add3A_189, %dma_wait3A_261, %dma_wait3A_262] : memref<128x512x64xf32, #tpu.memory_space<hbm>> -> memref<1x256x64xf32, #tpu.memory_space<hbm>>
    %dma_wait3A_264 = tpu.memref_squeeze %dma_wait3A_263 : memref<1x256x64xf32, #tpu.memory_space<hbm>> -> memref<256x64xf32, #tpu.memory_space<hbm>>
    tpu.wait_dma2 semaphore(%arg10 : memref<!tpu.dma_semaphore, #tpu.memory_space<semaphore_mem>>) src(%arg6 : memref<256x64xf32, #tpu.memory_space<vmem>>) dst(%dma_wait3A_264 : memref<256x64xf32, #tpu.memory_space<hbm>>)
    %barrier3A_265 = arith.constant 0 : index
    tpu.barrier barrier_id(%barrier3A_265)
    %parallel_loop3A_266 = arith.constant 0 : i32
    %parallel_loop3A_267 = arith.constant 256 : i32
    %parallel_loop3A_268 = arith.constant 1 : i32
    scf.for %parallel_loop3A_327 = %parallel_loop3A_266 to %parallel_loop3A_267 step %parallel_loop3A_268  : i32 {
      %parallel_loop3A_328 = arith.index_cast %parallel_loop3A_327 : i32 to index
      %parallel_loop3A_329 = arith.constant 0 : index
      %parallel_loop3A_330 = tpu.vector_load %arg4[%parallel_loop3A_328, %parallel_loop3A_329] {strides = array<i32>} : memref<256x128xf32, #tpu.memory_space<vmem>>, vector<1x16xf32>,
      %parallel_loop3A_331 = vector.shape_cast %parallel_loop3A_330 : vector<1x16xf32> to vector<16xf32>
      %parallel_loop3A_332 = arith.index_cast %parallel_loop3A_327 : i32 to index
      %parallel_loop3A_333 = arith.constant 64 : index
      %parallel_loop3A_334 = tpu.vector_load %arg4[%parallel_loop3A_332, %parallel_loop3A_333] {strides = array<i32>} : memref<256x128xf32, #tpu.memory_space<vmem>>, vector<1x16xf32>,
      %parallel_loop3A_335 = vector.shape_cast %parallel_loop3A_334 : vector<1x16xf32> to vector<16xf32>
      %parallel_loop3A_336 = arith.maximumf %parallel_loop3A_331, %parallel_loop3A_335 : vector<16xf32>
      %parallel_loop3A_337 = arith.index_cast %parallel_loop3A_327 : i32 to index
      %parallel_loop3A_338 = arith.constant 0 : index
      %parallel_loop3A_339 = tpu.vector_load %arg6[%parallel_loop3A_337, %parallel_loop3A_338] {strides = array<i32>} : memref<256x64xf32, #tpu.memory_space<vmem>>, vector<1x16xf32>,
      %parallel_loop3A_340 = vector.shape_cast %parallel_loop3A_339 : vector<1x16xf32> to vector<16xf32>
      %parallel_loop3A_341 = vector.shape_cast %parallel_loop3A_336 : vector<16xf32> to vector<1x16xf32>
      tpu.vector_store %arg6[%parallel_loop3A_337, %parallel_loop3A_338], %parallel_loop3A_341 {strides = array<i32>} : memref<256x64xf32, #tpu.memory_space<vmem>>, vector<1x16xf32>,
      %parallel_loop3A_342 = arith.index_cast %parallel_loop3A_327 : i32 to index
      %parallel_loop3A_343 = arith.constant 16 : index
      %parallel_loop3A_344 = tpu.vector_load %arg4[%parallel_loop3A_342, %parallel_loop3A_343] {strides = array<i32>} : memref<256x128xf32, #tpu.memory_space<vmem>>, vector<1x16xf32>,
      %parallel_loop3A_345 = vector.shape_cast %parallel_loop3A_344 : vector<1x16xf32> to vector<16xf32>
      %parallel_loop3A_346 = arith.index_cast %parallel_loop3A_327 : i32 to index
      %parallel_loop3A_347 = arith.constant 80 : index
      %parallel_loop3A_348 = tpu.vector_load %arg4[%parallel_loop3A_346, %parallel_loop3A_347] {strides = array<i32>} : memref<256x128xf32, #tpu.memory_space<vmem>>, vector<1x16xf32>,
      %parallel_loop3A_349 = vector.shape_cast %parallel_loop3A_348 : vector<1x16xf32> to vector<16xf32>
      %parallel_loop3A_350 = arith.maximumf %parallel_loop3A_345, %parallel_loop3A_349 : vector<16xf32>
      %parallel_loop3A_351 = arith.index_cast %parallel_loop3A_327 : i32 to index
      %parallel_loop3A_352 = arith.constant 16 : index
      %parallel_loop3A_353 = tpu.vector_load %arg6[%parallel_loop3A_351, %parallel_loop3A_352] {strides = array<i32>} : memref<256x64xf32, #tpu.memory_space<vmem>>, vector<1x16xf32>,
      %parallel_loop3A_354 = vector.shape_cast %parallel_loop3A_353 : vector<1x16xf32> to vector<16xf32>
      %parallel_loop3A_355 = vector.shape_cast %parallel_loop3A_350 : vector<16xf32> to vector<1x16xf32>
      tpu.vector_store %arg6[%parallel_loop3A_351, %parallel_loop3A_352], %parallel_loop3A_355 {strides = array<i32>} : memref<256x64xf32, #tpu.memory_space<vmem>>, vector<1x16xf32>,
      %parallel_loop3A_356 = arith.index_cast %parallel_loop3A_327 : i32 to index
      %parallel_loop3A_357 = arith.constant 32 : index
      %parallel_loop3A_358 = tpu.vector_load %arg4[%parallel_loop3A_356, %parallel_loop3A_357] {strides = array<i32>} : memref<256x128xf32, #tpu.memory_space<vmem>>, vector<1x16xf32>,
      %parallel_loop3A_359 = vector.shape_cast %parallel_loop3A_358 : vector<1x16xf32> to vector<16xf32>
      %parallel_loop3A_360 = arith.index_cast %parallel_loop3A_327 : i32 to index
      %parallel_loop3A_361 = arith.constant 96 : index
      %parallel_loop3A_362 = tpu.vector_load %arg4[%parallel_loop3A_360, %parallel_loop3A_361] {strides = array<i32>} : memref<256x128xf32, #tpu.memory_space<vmem>>, vector<1x16xf32>,
      %parallel_loop3A_363 = vector.shape_cast %parallel_loop3A_362 : vector<1x16xf32> to vector<16xf32>
      %parallel_loop3A_364 = arith.maximumf %parallel_loop3A_359, %parallel_loop3A_363 : vector<16xf32>
      %parallel_loop3A_365 = arith.index_cast %parallel_loop3A_327 : i32 to index
      %parallel_loop3A_366 = arith.constant 32 : index
      %parallel_loop3A_367 = tpu.vector_load %arg6[%parallel_loop3A_365, %parallel_loop3A_366] {strides = array<i32>} : memref<256x64xf32, #tpu.memory_space<vmem>>, vector<1x16xf32>,
      %parallel_loop3A_368 = vector.shape_cast %parallel_loop3A_367 : vector<1x16xf32> to vector<16xf32>
      %parallel_loop3A_369 = vector.shape_cast %parallel_loop3A_364 : vector<16xf32> to vector<1x16xf32>
      tpu.vector_store %arg6[%parallel_loop3A_365, %parallel_loop3A_366], %parallel_loop3A_369 {strides = array<i32>} : memref<256x64xf32, #tpu.memory_space<vmem>>, vector<1x16xf32>,
      %parallel_loop3A_370 = arith.index_cast %parallel_loop3A_327 : i32 to index
      %parallel_loop3A_371 = arith.constant 48 : index
      %parallel_loop3A_372 = tpu.vector_load %arg4[%parallel_loop3A_370, %parallel_loop3A_371] {strides = array<i32>} : memref<256x128xf32, #tpu.memory_space<vmem>>, vector<1x16xf32>,
      %parallel_loop3A_373 = vector.shape_cast %parallel_loop3A_372 : vector<1x16xf32> to vector<16xf32>
      %parallel_loop3A_374 = arith.index_cast %parallel_loop3A_327 : i32 to index
      %parallel_loop3A_375 = arith.constant 112 : index
      %parallel_loop3A_376 = tpu.vector_load %arg4[%parallel_loop3A_374, %parallel_loop3A_375] {strides = array<i32>} : memref<256x128xf32, #tpu.memory_space<vmem>>, vector<1x16xf32>,
      %parallel_loop3A_377 = vector.shape_cast %parallel_loop3A_376 : vector<1x16xf32> to vector<16xf32>
      %parallel_loop3A_378 = arith.maximumf %parallel_loop3A_373, %parallel_loop3A_377 : vector<16xf32>
      %parallel_loop3A_379 = arith.index_cast %parallel_loop3A_327 : i32 to index
      %parallel_loop3A_380 = arith.constant 48 : index
      %parallel_loop3A_381 = tpu.vector_load %arg6[%parallel_loop3A_379, %parallel_loop3A_380] {strides = array<i32>} : memref<256x64xf32, #tpu.memory_space<vmem>>, vector<1x16xf32>,
      %parallel_loop3A_382 = vector.shape_cast %parallel_loop3A_381 : vector<1x16xf32> to vector<16xf32>
      %parallel_loop3A_383 = vector.shape_cast %parallel_loop3A_378 : vector<16xf32> to vector<1x16xf32>
      tpu.vector_store %arg6[%parallel_loop3A_379, %parallel_loop3A_380], %parallel_loop3A_383 {strides = array<i32>} : memref<256x64xf32, #tpu.memory_space<vmem>>, vector<1x16xf32>,
    } {sc.loop_unroll_factor = 4 : i64, sc.parallel_access}
    %barrier3A_269 = arith.constant 0 : index
    tpu.barrier barrier_id(%barrier3A_269)
    %add3A_270 = arith.constant 3 : i32
    %add3A_271 = arith.addi %mul3A_2, %add3A_270 : i32
    %dma_start3A_272 = arith.constant 0 : i32
    %dma_start3A_273 = arith.constant 0 : i32
    %dma_start3A_274 = tpu.memref_slice %arg3[%add3A_271, %dma_start3A_272, %dma_start3A_273] : memref<128x512x64xf32, #tpu.memory_space<hbm>> -> memref<1x256x64xf32, #tpu.memory_space<hbm>>
    %dma_start3A_275 = tpu.memref_squeeze %dma_start3A_274 : memref<1x256x64xf32, #tpu.memory_space<hbm>> -> memref<256x64xf32, #tpu.memory_space<hbm>>
    %dma_start3A_276 = arith.constant 0 : i32
    %dma_start3A_277 = arith.constant 0 : i32
    %dma_start3A_278 = tpu.memref_slice %arg3[%add3A_271, %dma_start3A_276, %dma_start3A_277] : memref<128x512x64xf32, #tpu.memory_space<hbm>> -> memref<1x256x64xf32, #tpu.memory_space<hbm>>
    %dma_start3A_279 = tpu.memref_squeeze %dma_start3A_278 : memref<1x256x64xf32, #tpu.memory_space<hbm>> -> memref<256x64xf32, #tpu.memory_space<hbm>>
    tpu.enqueue_dma source(%arg6 : memref<256x64xf32, #tpu.memory_space<vmem>>) target(%dma_start3A_279 : memref<256x64xf32, #tpu.memory_space<hbm>>) target_semaphore(%arg10 : memref<!tpu.dma_semaphore, #tpu.memory_space<semaphore_mem>>)
    %dma_wait3A_280 = arith.constant 256 : i32
    %dma_wait3A_281 = arith.constant 0 : i32
    %dma_wait3A_282 = tpu.memref_slice %arg2[%add3A_240, %dma_wait3A_280, %dma_wait3A_281] : memref<128x512x128xf32, #tpu.memory_space<hbm>> -> memref<1x256x128xf32, #tpu.memory_space<hbm>>
    %dma_wait3A_283 = tpu.memref_squeeze %dma_wait3A_282 : memref<1x256x128xf32, #tpu.memory_space<hbm>> -> memref<256x128xf32, #tpu.memory_space<hbm>>
    %dma_wait3A_284 = arith.constant 256 : i32
    %dma_wait3A_285 = arith.constant 0 : i32
    %dma_wait3A_286 = tpu.memref_slice %arg2[%add3A_240, %dma_wait3A_284, %dma_wait3A_285] : memref<128x512x128xf32, #tpu.memory_space<hbm>> -> memref<1x256x128xf32, #tpu.memory_space<hbm>>
    %dma_wait3A_287 = tpu.memref_squeeze %dma_wait3A_286 : memref<1x256x128xf32, #tpu.memory_space<hbm>> -> memref<256x128xf32, #tpu.memory_space<hbm>>
    tpu.wait_dma2 semaphore(%arg9 : memref<!tpu.dma_semaphore, #tpu.memory_space<semaphore_mem>>) src(%dma_wait3A_287 : memref<256x128xf32, #tpu.memory_space<hbm>>) dst(%arg5 : memref<256x128xf32, #tpu.memory_space<vmem>>)
    %dma_wait3A_288 = arith.constant 256 : i32
    %dma_wait3A_289 = arith.constant 0 : i32
    %dma_wait3A_290 = tpu.memref_slice %arg3[%add3A_230, %dma_wait3A_288, %dma_wait3A_289] : memref<128x512x64xf32, #tpu.memory_space<hbm>> -> memref<1x256x64xf32, #tpu.memory_space<hbm>>
    %dma_wait3A_291 = tpu.memref_squeeze %dma_wait3A_290 : memref<1x256x64xf32, #tpu.memory_space<hbm>> -> memref<256x64xf32, #tpu.memory_space<hbm>>
    %dma_wait3A_292 = arith.constant 256 : i32
    %dma_wait3A_293 = arith.constant 0 : i32
    %dma_wait3A_294 = tpu.memref_slice %arg3[%add3A_230, %dma_wait3A_292, %dma_wait3A_293] : memref<128x512x64xf32, #tpu.memory_space<hbm>> -> memref<1x256x64xf32, #tpu.memory_space<hbm>>
    %dma_wait3A_295 = tpu.memref_squeeze %dma_wait3A_294 : memref<1x256x64xf32, #tpu.memory_space<hbm>> -> memref<256x64xf32, #tpu.memory_space<hbm>>
    tpu.wait_dma2 semaphore(%arg11 : memref<!tpu.dma_semaphore, #tpu.memory_space<semaphore_mem>>) src(%arg7 : memref<256x64xf32, #tpu.memory_space<vmem>>) dst(%dma_wait3A_295 : memref<256x64xf32, #tpu.memory_space<hbm>>)
    %barrier3A_296 = arith.constant 0 : index
    tpu.barrier barrier_id(%barrier3A_296)
    %parallel_loop3A_297 = arith.constant 0 : i32
    %parallel_loop3A_298 = arith.constant 256 : i32
    %parallel_loop3A_299 = arith.constant 1 : i32
    scf.for %parallel_loop3A_327 = %parallel_loop3A_297 to %parallel_loop3A_298 step %parallel_loop3A_299  : i32 {
      %parallel_loop3A_328 = arith.index_cast %parallel_loop3A_327 : i32 to index
      %parallel_loop3A_329 = arith.constant 0 : index
      %parallel_loop3A_330 = tpu.vector_load %arg5[%parallel_loop3A_328, %parallel_loop3A_329] {strides = array<i32>} : memref<256x128xf32, #tpu.memory_space<vmem>>, vector<1x16xf32>,
      %parallel_loop3A_331 = vector.shape_cast %parallel_loop3A_330 : vector<1x16xf32> to vector<16xf32>
      %parallel_loop3A_332 = arith.index_cast %parallel_loop3A_327 : i32 to index
      %parallel_loop3A_333 = arith.constant 64 : index
      %parallel_loop3A_334 = tpu.vector_load %arg5[%parallel_loop3A_332, %parallel_loop3A_333] {strides = array<i32>} : memref<256x128xf32, #tpu.memory_space<vmem>>, vector<1x16xf32>,
      %parallel_loop3A_335 = vector.shape_cast %parallel_loop3A_334 : vector<1x16xf32> to vector<16xf32>
      %parallel_loop3A_336 = arith.maximumf %parallel_loop3A_331, %parallel_loop3A_335 : vector<16xf32>
      %parallel_loop3A_337 = arith.index_cast %parallel_loop3A_327 : i32 to index
      %parallel_loop3A_338 = arith.constant 0 : index
      %parallel_loop3A_339 = tpu.vector_load %arg7[%parallel_loop3A_337, %parallel_loop3A_338] {strides = array<i32>} : memref<256x64xf32, #tpu.memory_space<vmem>>, vector<1x16xf32>,
      %parallel_loop3A_340 = vector.shape_cast %parallel_loop3A_339 : vector<1x16xf32> to vector<16xf32>
      %parallel_loop3A_341 = vector.shape_cast %parallel_loop3A_336 : vector<16xf32> to vector<1x16xf32>
      tpu.vector_store %arg7[%parallel_loop3A_337, %parallel_loop3A_338], %parallel_loop3A_341 {strides = array<i32>} : memref<256x64xf32, #tpu.memory_space<vmem>>, vector<1x16xf32>,
      %parallel_loop3A_342 = arith.index_cast %parallel_loop3A_327 : i32 to index
      %parallel_loop3A_343 = arith.constant 16 : index
      %parallel_loop3A_344 = tpu.vector_load %arg5[%parallel_loop3A_342, %parallel_loop3A_343] {strides = array<i32>} : memref<256x128xf32, #tpu.memory_space<vmem>>, vector<1x16xf32>,
      %parallel_loop3A_345 = vector.shape_cast %parallel_loop3A_344 : vector<1x16xf32> to vector<16xf32>
      %parallel_loop3A_346 = arith.index_cast %parallel_loop3A_327 : i32 to index
      %parallel_loop3A_347 = arith.constant 80 : index
      %parallel_loop3A_348 = tpu.vector_load %arg5[%parallel_loop3A_346, %parallel_loop3A_347] {strides = array<i32>} : memref<256x128xf32, #tpu.memory_space<vmem>>, vector<1x16xf32>,
      %parallel_loop3A_349 = vector.shape_cast %parallel_loop3A_348 : vector<1x16xf32> to vector<16xf32>
      %parallel_loop3A_350 = arith.maximumf %parallel_loop3A_345, %parallel_loop3A_349 : vector<16xf32>
      %parallel_loop3A_351 = arith.index_cast %parallel_loop3A_327 : i32 to index
      %parallel_loop3A_352 = arith.constant 16 : index
      %parallel_loop3A_353 = tpu.vector_load %arg7[%parallel_loop3A_351, %parallel_loop3A_352] {strides = array<i32>} : memref<256x64xf32, #tpu.memory_space<vmem>>, vector<1x16xf32>,
      %parallel_loop3A_354 = vector.shape_cast %parallel_loop3A_353 : vector<1x16xf32> to vector<16xf32>
      %parallel_loop3A_355 = vector.shape_cast %parallel_loop3A_350 : vector<16xf32> to vector<1x16xf32>
      tpu.vector_store %arg7[%parallel_loop3A_351, %parallel_loop3A_352], %parallel_loop3A_355 {strides = array<i32>} : memref<256x64xf32, #tpu.memory_space<vmem>>, vector<1x16xf32>,
      %parallel_loop3A_356 = arith.index_cast %parallel_loop3A_327 : i32 to index
      %parallel_loop3A_357 = arith.constant 32 : index
      %parallel_loop3A_358 = tpu.vector_load %arg5[%parallel_loop3A_356, %parallel_loop3A_357] {strides = array<i32>} : memref<256x128xf32, #tpu.memory_space<vmem>>, vector<1x16xf32>,
      %parallel_loop3A_359 = vector.shape_cast %parallel_loop3A_358 : vector<1x16xf32> to vector<16xf32>
      %parallel_loop3A_360 = arith.index_cast %parallel_loop3A_327 : i32 to index
      %parallel_loop3A_361 = arith.constant 96 : index
      %parallel_loop3A_362 = tpu.vector_load %arg5[%parallel_loop3A_360, %parallel_loop3A_361] {strides = array<i32>} : memref<256x128xf32, #tpu.memory_space<vmem>>, vector<1x16xf32>,
      %parallel_loop3A_363 = vector.shape_cast %parallel_loop3A_362 : vector<1x16xf32> to vector<16xf32>
      %parallel_loop3A_364 = arith.maximumf %parallel_loop3A_359, %parallel_loop3A_363 : vector<16xf32>
      %parallel_loop3A_365 = arith.index_cast %parallel_loop3A_327 : i32 to index
      %parallel_loop3A_366 = arith.constant 32 : index
      %parallel_loop3A_367 = tpu.vector_load %arg7[%parallel_loop3A_365, %parallel_loop3A_366] {strides = array<i32>} : memref<256x64xf32, #tpu.memory_space<vmem>>, vector<1x16xf32>,
      %parallel_loop3A_368 = vector.shape_cast %parallel_loop3A_367 : vector<1x16xf32> to vector<16xf32>
      %parallel_loop3A_369 = vector.shape_cast %parallel_loop3A_364 : vector<16xf32> to vector<1x16xf32>
      tpu.vector_store %arg7[%parallel_loop3A_365, %parallel_loop3A_366], %parallel_loop3A_369 {strides = array<i32>} : memref<256x64xf32, #tpu.memory_space<vmem>>, vector<1x16xf32>,
      %parallel_loop3A_370 = arith.index_cast %parallel_loop3A_327 : i32 to index
      %parallel_loop3A_371 = arith.constant 48 : index
      %parallel_loop3A_372 = tpu.vector_load %arg5[%parallel_loop3A_370, %parallel_loop3A_371] {strides = array<i32>} : memref<256x128xf32, #tpu.memory_space<vmem>>, vector<1x16xf32>,
      %parallel_loop3A_373 = vector.shape_cast %parallel_loop3A_372 : vector<1x16xf32> to vector<16xf32>
      %parallel_loop3A_374 = arith.index_cast %parallel_loop3A_327 : i32 to index
      %parallel_loop3A_375 = arith.constant 112 : index
      %parallel_loop3A_376 = tpu.vector_load %arg5[%parallel_loop3A_374, %parallel_loop3A_375] {strides = array<i32>} : memref<256x128xf32, #tpu.memory_space<vmem>>, vector<1x16xf32>,
      %parallel_loop3A_377 = vector.shape_cast %parallel_loop3A_376 : vector<1x16xf32> to vector<16xf32>
      %parallel_loop3A_378 = arith.maximumf %parallel_loop3A_373, %parallel_loop3A_377 : vector<16xf32>
      %parallel_loop3A_379 = arith.index_cast %parallel_loop3A_327 : i32 to index
      %parallel_loop3A_380 = arith.constant 48 : index
      %parallel_loop3A_381 = tpu.vector_load %arg7[%parallel_loop3A_379, %parallel_loop3A_380] {strides = array<i32>} : memref<256x64xf32, #tpu.memory_space<vmem>>, vector<1x16xf32>,
      %parallel_loop3A_382 = vector.shape_cast %parallel_loop3A_381 : vector<1x16xf32> to vector<16xf32>
      %parallel_loop3A_383 = vector.shape_cast %parallel_loop3A_378 : vector<16xf32> to vector<1x16xf32>
      tpu.vector_store %arg7[%parallel_loop3A_379, %parallel_loop3A_380], %parallel_loop3A_383 {strides = array<i32>} : memref<256x64xf32, #tpu.memory_space<vmem>>, vector<1x16xf32>,
    } {sc.loop_unroll_factor = 4 : i64, sc.parallel_access}
    %barrier3A_300 = arith.constant 0 : index
    tpu.barrier barrier_id(%barrier3A_300)
    %add3A_301 = arith.constant 3 : i32
    %add3A_302 = arith.addi %mul3A_2, %add3A_301 : i32
    %dma_start3A_303 = arith.constant 256 : i32
    %dma_start3A_304 = arith.constant 0 : i32
    %dma_start3A_305 = tpu.memref_slice %arg3[%add3A_302, %dma_start3A_303, %dma_start3A_304] : memref<128x512x64xf32, #tpu.memory_space<hbm>> -> memref<1x256x64xf32, #tpu.memory_space<hbm>>
    %dma_start3A_306 = tpu.memref_squeeze %dma_start3A_305 : memref<1x256x64xf32, #tpu.memory_space<hbm>> -> memref<256x64xf32, #tpu.memory_space<hbm>>
    %dma_start3A_307 = arith.constant 256 : i32
    %dma_start3A_308 = arith.constant 0 : i32
    %dma_start3A_309 = tpu.memref_slice %arg3[%add3A_302, %dma_start3A_307, %dma_start3A_308] : memref<128x512x64xf32, #tpu.memory_space<hbm>> -> memref<1x256x64xf32, #tpu.memory_space<hbm>>
    %dma_start3A_310 = tpu.memref_squeeze %dma_start3A_309 : memref<1x256x64xf32, #tpu.memory_space<hbm>> -> memref<256x64xf32, #tpu.memory_space<hbm>>
    tpu.enqueue_dma source(%arg7 : memref<256x64xf32, #tpu.memory_space<vmem>>) target(%dma_start3A_310 : memref<256x64xf32, #tpu.memory_space<hbm>>) target_semaphore(%arg11 : memref<!tpu.dma_semaphore, #tpu.memory_space<semaphore_mem>>)
    %dma_wait3A_311 = arith.constant 0 : i32
    %dma_wait3A_312 = arith.constant 0 : i32
    %dma_wait3A_313 = tpu.memref_slice %arg3[%add3A_271, %dma_wait3A_311, %dma_wait3A_312] : memref<128x512x64xf32, #tpu.memory_space<hbm>> -> memref<1x256x64xf32, #tpu.memory_space<hbm>>
    %dma_wait3A_314 = tpu.memref_squeeze %dma_wait3A_313 : memref<1x256x64xf32, #tpu.memory_space<hbm>> -> memref<256x64xf32, #tpu.memory_space<hbm>>
    %dma_wait3A_315 = arith.constant 0 : i32
    %dma_wait3A_316 = arith.constant 0 : i32
    %dma_wait3A_317 = tpu.memref_slice %arg3[%add3A_271, %dma_wait3A_315, %dma_wait3A_316] : memref<128x512x64xf32, #tpu.memory_space<hbm>> -> memref<1x256x64xf32, #tpu.memory_space<hbm>>
    %dma_wait3A_318 = tpu.memref_squeeze %dma_wait3A_317 : memref<1x256x64xf32, #tpu.memory_space<hbm>> -> memref<256x64xf32, #tpu.memory_space<hbm>>
    tpu.wait_dma2 semaphore(%arg10 : memref<!tpu.dma_semaphore, #tpu.memory_space<semaphore_mem>>) src(%arg6 : memref<256x64xf32, #tpu.memory_space<vmem>>) dst(%dma_wait3A_318 : memref<256x64xf32, #tpu.memory_space<hbm>>)
    %dma_wait3A_319 = arith.constant 256 : i32
    %dma_wait3A_320 = arith.constant 0 : i32
    %dma_wait3A_321 = tpu.memref_slice %arg3[%add3A_302, %dma_wait3A_319, %dma_wait3A_320] : memref<128x512x64xf32, #tpu.memory_space<hbm>> -> memref<1x256x64xf32, #tpu.memory_space<hbm>>
    %dma_wait3A_322 = tpu.memref_squeeze %dma_wait3A_321 : memref<1x256x64xf32, #tpu.memory_space<hbm>> -> memref<256x64xf32, #tpu.memory_space<hbm>>
    %dma_wait3A_323 = arith.constant 256 : i32
    %dma_wait3A_324 = arith.constant 0 : i32
    %dma_wait3A_325 = tpu.memref_slice %arg3[%add3A_302, %dma_wait3A_323, %dma_wait3A_324] : memref<128x512x64xf32, #tpu.memory_space<hbm>> -> memref<1x256x64xf32, #tpu.memory_space<hbm>>
    %dma_wait3A_326 = tpu.memref_squeeze %dma_wait3A_325 : memref<1x256x64xf32, #tpu.memory_space<hbm>> -> memref<256x64xf32, #tpu.memory_space<hbm>>
    tpu.wait_dma2 semaphore(%arg11 : memref<!tpu.dma_semaphore, #tpu.memory_space<semaphore_mem>>) src(%arg7 : memref<256x64xf32, #tpu.memory_space<vmem>>) dst(%dma_wait3A_326 : memref<256x64xf32, #tpu.memory_space<hbm>>)
    return
  }
}

</mosaic_0001>

<sc_bundles>
// kernel: kernel.3.cloned.1.call-start
scs
__scs_entry_jumppad:
0x0: {  	(pc) =	sbr.rel $0x88, $3  }
0x1: {  	(tag) =	ssettag $0x0;
	lr =	simm.s32 $0x1  }
0x2: {  	[smem:$0x3FA0] =	sst lr;
	_ =	strace $0xD0000000  }
0x3: {  	_ = 	snop  }
0x4: {  	_ = 	snop  }
0x5: {  	_ = 	snop  }
0x6: {  	_ = 	snop  }
0x7: {  	_ = 	snop  }
__scs_overlays_trampoline_lowered:
0x8: {  	[smem:$0x3FAF] =	sst s0  }
0x9: {  	[smem:$0x3FB0] =	sst s1  }
0xa: {  	[smem:$0x3FB1] =	sst s2  }
0xb: {  	[smem:$0x3FB2] =	sst s3  }
0xc: {  	[smem:$0x3FB3] =	sst s4  }
0xd: {  	[smem:$0x3FB4] =	sst s5  }
0xe: {  	[smem:$0x3FB5] =	sst s6  }
0xf: {  	[smem:$0x3FB6] =	sst s7  }
0x10: {  	[smem:$0x3FB7] =	sst s8  }
0x11: {  	[smem:$0x3FB8] =	sst s9;
	s0 =	simm.s32 @!p0 $0x0  }
0x12: {  	s1 =	sld [smem:$0x3F9E];
	s0 =	simm.s32 @p0 $0x1  }
0x13: {  	[smem:$0x3FB9] =	sst s0;
	s0 =	simm.s32 @!p1 $0x0  }
0x14: {  	s2 =	sld [smem:$0x3F9D];
	s0 =	simm.s32 @p1 $0x1  }
0x15: {  	[smem:$0x3FBA] =	sst s0;
	s0 =	simm.s32 @!p2 $0x0  }
0x16: {  	s3 =	sld [smem:$0x3FDB];
	s0 =	simm.s32 @p2 $0x1  }
0x17: {  	s4 =	simm.s32 $0x1BF5;
	[smem:$0x3FBC] =	sst s0  }
0x18: {  	s0 =	sld [smem:$0x3F9F];
	_ =	swait.ge [sflag:s4], $0x0  }
0x19: {  	s7 =	sld [smem:$0x3FA0]  }
0x1a: {  	s8 =	sadd.s32 $0xFFFFE003, lr  }
0x1b: {  	s9 =	sadd.s32 $0xFFFFFEF7, lr;
	s5 =	simm.s32 $0xFFFFFFFF;
	p2 =	slt.u32 s8, $0xFFFFF086  }
0x1c: {  	p1 =	slt.u32 s9, $0xF7A;
	s5 =	simm.s32 @!p2 $0x0  }
0x1d: {  	s5 =	simm.s32 @p1 $0x1;
	p0 =	seq.s32 s7, s2  }
0x1e: {  	s7 =	smul.u32 @!p0 $0xF7A, s2;
	p2 =	seq.s32 @!p0 s5, $0x0  }
0x1f: {  	s9 =	smul.u32 $0xF7A, s1;
	s8 =	simm.s32 @!p0 $0x1BF5;
	p2 =	por !p2, p0  }
0x20: {  	[sflag:s8] =	ssyncset.s32 @!p0 $0xFFFFF086;
	s6 =	sadd.s32 @!p0 s3, s7;
	s7 =	simm.s32 @!p0 $0x108  }
0x21: {  	s3 =	sadd.s32 s3, s9;
	s6 =	sadd.s32 @!p0 $0x88, s6;
	s7 =	simm.s32 @p2 $0x1082  }
0x22: {  	[simem:s7], [sflag:s8] =	dma.local @!p0 [hbm:s6], $0xF7A  }
0x23: {  	s9 =	sor.u32 $0xD0000000, s2;
	s6 =	simm.s32 $0x108;
	_ =	swait.ge @!p0 [sflag:s8], $0x0  }
0x24: {  	s3 =	sadd.s32 $0x88, s3;
	s6 =	simm.s32 @!p1 $0x1082;
	[sflag:s4] =	ssyncset.s32 $0xFFFFF086  }
0x25: {  	[simem:s6], [sflag:s4] =	dma.local [hbm:s3], $0xF7A  }
0x26: {  	[smem:$0x3FA0] =	sst s1;
	(tag) =	ssettag s2;
	_ =	strace s9  }
0x27: {  	s1 =	sld [smem:$0x3FB0]  }
0x28: {  	s2 =	sld [smem:$0x3FB1]  }
0x29: {  	s4 =	sld [smem:$0x3FB3]  }
0x2a: {  	p0 =	seq.s32 s5, $0x0;
	s5 =	sld [smem:$0x3FB4]  }
0x2b: {  	s6 =	sld [smem:$0x3FB5]  }
0x2c: {  	s7 =	sld [smem:$0x3FB6]  }
0x2d: {  	s3 =	simm.s32 $0x108;
	s8 =	sld [smem:$0x3FB7]  }
0x2e: {  	s3 =	simm.s32 @!p0 $0x1082;
	s9 =	sld [smem:$0x3FB8]  }
0x2f: {  	lr =	sadd.s32 s0, s3;
	s0 =	sld [smem:$0x3FAF]  }
0x30: {  	s3 =	sld [smem:$0x3FB2]  }
0x31: {  	[smem:$0x3FBB] =	sst s10  }
0x32: {  	s10 =	sld [smem:$0x3FB9];
	_ =	sdelay $0x3  }
0x33: {  	p0 =	seq.s32 s10, $0x1;
	s10 =	sld [smem:$0x3FBB];
	_ =	sdelay $0x3  }
0x34: {  	[smem:$0x3FBB] =	sst s10  }
0x35: {  	s10 =	sld [smem:$0x3FBA];
	_ =	sdelay $0x3  }
0x36: {  	p1 =	seq.s32 s10, $0x1;
	s10 =	sld [smem:$0x3FBB];
	_ =	sdelay $0x3  }
0x37: {  	[smem:$0x3FBB] =	sst s10  }
0x38: {  	s10 =	sld [smem:$0x3FBC]  }
0x39: {  	_ = 	snop;
	(pc) =	sbr.ind lr, $3  }
0x3a: {  	_ = 	snop  }
0x3b: {  	_ = 	snop  }
0x3c: {  	p2 =	seq.s32 s10, $0x1;
	s10 =	sld [smem:$0x3FBB]  }
0x3d: {  	_ =	shalt  }
0x3e: {  	_ =	shalt  }
0x3f: {  	_ =	shalt  }
0x40: {  	_ =	shalt  }
0x41: {  	_ =	shalt  }
0x42: {  	_ =	shalt  }
0x43: {  	_ =	shalt  }
0x44: {  	_ =	shalt  }
0x45: {  	_ =	shalt  }
0x46: {  	_ =	shalt  }
0x47: {  	_ =	shalt  }
0x48: {  	_ =	shalt  }
0x49: {  	_ =	shalt  }
0x4a: {  	_ =	shalt  }
0x4b: {  	_ =	shalt  }
0x4c: {  	_ =	shalt  }
0x4d: {  	_ =	shalt  }
0x4e: {  	_ =	shalt  }
0x4f: {  	_ =	shalt  }
0x50: {  	_ =	shalt  }
0x51: {  	_ =	shalt  }
0x52: {  	_ =	shalt  }
0x53: {  	_ =	shalt  }
0x54: {  	_ =	shalt  }
0x55: {  	_ =	shalt  }
0x56: {  	_ =	shalt  }
0x57: {  	_ =	shalt  }
0x58: {  	_ =	shalt  }
0x59: {  	_ =	shalt  }
0x5a: {  	_ =	shalt  }
0x5b: {  	_ =	shalt  }
0x5c: {  	_ =	shalt  }
0x5d: {  	_ =	shalt  }
0x5e: {  	_ =	shalt  }
0x5f: {  	_ =	shalt  }
0x60: {  	_ =	shalt  }
0x61: {  	_ =	shalt  }
0x62: {  	_ =	shalt  }
0x63: {  	_ =	shalt  }
0x64: {  	_ =	shalt  }
0x65: {  	_ =	shalt  }
0x66: {  	_ =	shalt  }
0x67: {  	_ =	shalt  }
0x68: {  	_ =	shalt  }
0x69: {  	_ =	shalt  }
0x6a: {  	_ =	shalt  }
0x6b: {  	_ =	shalt  }
0x6c: {  	_ =	shalt  }
0x6d: {  	_ =	shalt  }
0x6e: {  	_ =	shalt  }
0x6f: {  	_ =	shalt  }
0x70: {  	_ =	shalt  }
0x71: {  	_ =	shalt  }
0x72: {  	_ =	shalt  }
0x73: {  	_ =	shalt  }
0x74: {  	_ =	shalt  }
0x75: {  	_ =	shalt  }
0x76: {  	_ =	shalt  }
0x77: {  	_ =	shalt  }
0x78: {  	_ =	shalt  }
0x79: {  	_ =	shalt  }
0x7a: {  	_ =	shalt  }
0x7b: {  	_ =	shalt  }
0x7c: {  	_ =	shalt  }
0x7d: {  	_ =	shalt  }
0x7e: {  	_ =	shalt  }
0x7f: {  	_ =	shalt  }
0x80: {  	_ =	shalt  }
0x81: {  	_ =	shalt  }
0x82: {  	_ =	shalt  }
0x83: {  	_ =	shalt  }
0x84: {  	_ =	shalt  }
0x85: {  	_ =	shalt  }
0x86: {  	_ =	shalt  }
0x87: {  	_ =	shalt  }
.Lfunc_end0:
.L_simem_size_0:
called_computation_lowered:
.L_overlay_start_0:
0x88: {  	s2 =	sld [smem:$0x3FD9]  }
0x89: {  	s3 =	sld [smem:$0x3FFE];
	_ =	sdelay $0x1  }
0x8a: {  	s1 =	srdreg.scid  }
0x8b: {  	s0 =	sand.u32 $0x1, s1  }
0x8c: {  	s17 =	sshll.u32 s0, $0xA;
	s2 =	sadd.s32 s3, s2  }
0x8d: {  	s2 =	sadd.s32 s2, s17  }
0x8e: {  	[smem:$0x3FC7] =	sst s2  }
0x8f: {  	_ = 	snop  }
0x90: {  	s2 =	sld [smem:$0x3FC9];
	(tm) =	ssettm $0x1  }
0x91: {  	s18 =	sld [smem:$0x3FFB];
	_ =	sdelay $0x3  }
0x92: {  	_ =	strace s18  }
0x93: {  	s3 =	sld [smem:$0x3FFC];
	_ =	sdelay $0x3  }
0x94: {  	_ =	strace s3  }
0x95: {  	s3 =	sld [smem:$0x3FFD];
	_ =	sdelay $0x3  }
0x96: {  	_ =	strace s3  }
0x97: {  	_ =	strace $0x8FFFFFFF  }
0x98: {  	s19 =	sld [smem:$0x3FDB];
	_ =	sdelay $0x1  }
0x99: {  	s4 =	simm.s32 $_scs_section_size  }
0x9a: {  	s5 =	simm.s32 $_size__tile_overlayer_lowered;
	s6 =	simm.s32 $_tile_overlayer_lowered  }
0x9b: {  	s22 =	simm.s32 $0x1BFF;
	s21 =	sshll.u32 s6, $0x1;
	s3 =	sadd.s32 s4, s19  }
0x9c: {  	s7 =	simm.s32 $0x0;
	s20 =	sshll.u32 s5, $0x1;
	s5 =	sadd.s32 s21, s3  }
0x9d: {  	[timem:s7], [sflag:s22] =	dma.local [hbm:s5], s20  }
0x9e: {  	_ =	swait.ge [sflag:s22], s20  }
0x9f: {  	s4 =	ssub.s32 $0x0, s20;
	[sflag:s22] =	ssyncset.done $0x0  }
0xa0: {  	[sflag:s22] =	ssyncadd.s32 s4;
	_ =	sdelay $0x1  }
0xa1: {  	s23 =	simm.s32 $0x1B8B  }
0xa2: {  	_ =	swait.ge [sflag:s23], $0x1  }
0xa3: {  	[sflag:s23] =	ssyncset.done $0x0  }
0xa4: {  	s25 =	simm.s32 $0x1B8E;
	s24 =	sld [smem:$0x3FFE];
	[sflag:s23] =	ssyncadd.s32 $0xFFFFFFFF  }
0xa5: {  	s26 =	simm.s32 $execute0_lowered;
	[smem:$0x3FD2] =	sst s25  }
0xa6: {  	s5 =	sshll.u32 s26, $0x1;
	_ =	strace $0x80000046;
	[dreg:$0x1] =	wrdreg $0xFFFFFFFF  }
0xa7: {  	s28 =	simm.s32 $_size_execute0_lowered;
	s3 =	sadd.s32 s3, s5;
	[dreg:$0x0] =	wrdreg $0x0  }
0xa8: {  	s5 =	sshll.u32 s28, $0x1;
	[dreg:$0x2] =	wrdreg s3  }
0xa9: {  	[dreg:$0x3] =	wrdreg s5  }
0xaa: {  	[dreg:$0x4] =	wrdreg $0xC0  }
0xab: {  	_ =	task [dreg:s7], $0x5FFFF  }
0xac: {  	[dreg:$0x1] =	wrdreg $0xFFFFFFFF  }
0xad: {  	[dreg:$0x0] =	wrdreg $0x60  }
0xae: {  	[dreg:$0x2] =	wrdreg s2  }
0xaf: {  	[dreg:$0x3] =	wrdreg s24  }
0xb0: {  	[dreg:$0x4] =	wrdreg $0x9  }
0xb1: {  	_ =	task.clear_ibuf [dreg:s7], $0x5FFFF;
	_ =	strace $0x90000046  }
0xb2: {  	s29 =	simm.s32 $0x9;
	_ =	strace $0x80000048  }
0xb3: {  	_ =	swait.ge [sflag:s29], $0x1  }
0xb4: {  	[sflag:s29] =	ssyncadd.s32 $0xFFFFFFFF  }
0xb5: {  	_ =	strace $0x90000048  }
0xb6: {  	_ =	sfence  }
0xb7: {  	s30 =	sld [smem:$0x0];
	_ =	sdelay $0x2  }
0xb8: {  	s31 =	sshll.u32 s1, $0xD;
	s1 =	sshrl.u32 s1, $0x2  }
0xb9: {  	s3 =	sand.u32 $0x4000, s31;
	s1 =	sadd.s32 s1, s30  }
0xba: {  	s0 =	sor.u32 s3, s0;
	s1 =	sshll.u32 s1, $0x11  }
0xbb: {  	s0 =	sor.u32 s1, s0  }
0xbc: {  	s0 =	sadd.s32 $0x8F2B, s0  }
0xbd: {  	[sflag:s0] =	ssyncadd.remote.s32 $0x1  }
0xbe: {  	_ =	sfence.sel $0xFFFF  }
0xbf: {  	[dreg:$0x0] =	wrdreg $0xFFFFFFFF;
	(pc) =	sbr.abs _section_cstart, $3  }
0xc0: {  	[dreg:$0x1] =	wrdreg $0xFFFFFFFF  }
0xc1: {  	_ =	task.clear_ibuf [dreg:s7], $0x2FFFF;
	_ =	strace $0x9FFFFFFF  }
0xc2: {  	(tm) =	ssettm $0x7FFFFFFF  }
0xc3: {  	_ =	shalt  }
tec
execute0_lowered:
.L_overlay_start_1:
0x0: {  	(tag) =	ssettag $0x1  }
0x1: {  	s0 =	rddreg [dreg:$0x0]  }
0x2: {  	s1 =	rddreg [dreg:$0x1]  }
0x3: {  	s2 =	simm.s32 $0x0;
	s3 =	srdreg.scid;
	s5 =	stileid.u32  }
0x4: {  	s20 =	simm.s32 $0x8000;
	s21 =	simm.s32 $0x1;
	s22 =	simm.s32 $0x10000  }
0x5: {  	s23 =	simm.s32 $0x2;
	s24 =	simm.s32 $0x18000;
	s25 =	simm.s32 $0x3  }
0x6: {  	s26 =	simm.s32 $0x4;
	s28 =	simm.s32 $0x0;
	s3 =	sand.u32 $0x1, s3  }
0x7: {  	[smem:$0x7FF] =	sst s2;
	s5 =	sshll.u32 s5, $0x10;
	s4 =	ssub.s32 $0x2, s3  }
0x8: {  	s1 =	sadd.s32 $0x400, s1;
	s3 =	sshll.u32 s3, $0xF;
	s6 =	sshrl.u32 s4, $0x1  }
0x9: {  	_ =	strace $0x80000047;
	s16 =	sor.u32 s3, s5;
	s19 =	ssub.s32 s4, s6  }
0xa: {  	s3 =	sadd.s32 s0, s16;
	s7 =	sor.u32 $0x1000, s16;
	s5 =	sadd.s32 s1, s16  }
0xb: {  	s9 =	sor.u32 $0x2000, s16;
	s11 =	sor.u32 $0x3000, s16;
	s13 =	sor.u32 $0x4000, s16  }
0xc: {  	s15 =	sor.u32 $0x5000, s16;
	s17 =	sor.u32 $0x6000, s16;
	s18 =	sor.u32 $0x7000, s16  }
0xd: {  	s4 =	sadd.s32 s0, s7;
	s6 =	sadd.s32 s0, s9;
	s7 =	sadd.s32 s1, s7  }
0xe: {  	s8 =	sadd.s32 s0, s11;
	s9 =	sadd.s32 s1, s9;
	s10 =	sadd.s32 s0, s13  }
0xf: {  	s11 =	sadd.s32 s1, s11;
	s12 =	sadd.s32 s0, s15;
	s13 =	sadd.s32 s1, s13  }
0x10: {  	s14 =	sadd.s32 s0, s17;
	s15 =	sadd.s32 s1, s15;
	s16 =	sadd.s32 s0, s18  }
0x11: {  	s17 =	sadd.s32 s1, s17;
	s18 =	sadd.s32 s1, s18;
	s19 =	smax.u32 s19, $0x1  }
.LBB2_1:
0x12: {  	[tilespmem:s2], [sflag:$0x1] =	stream.linear.gather [hbm4b:s3+s2], $0x8000, $0x38;
	v63 =	vld [tilespmem:$0x0]  }
0x13: {  	_ = 	snop  }
0x14: {  	[tilespmem:s20], [sflag:$0x2] =	stream.linear.gather [hbm4b:s4+s2], $0x8000, $0x38;
	v63 =	vld [tilespmem:$0x0]  }
0x15: {  	_ =	swait.ge [sflag:s21], $0x8000  }
0x16: {  	[sflag:s21] =	ssyncset.done $0x0  }
0x17: {  	[sflag:s21] =	ssyncadd.s32 $0xFFFF8000  }
0x18: {  	s29 =	simm.s32 $0x100;
	[bflag:$0x0] =	sbarrier.arrive $0xFFFF  }
0x19: {  	v0 =	vld [tilespmem:s29+$0x80]  }
0x1a: {  	v1 =	vld [tilespmem:s29+$0xC0];
	_ =	sdelay $0x2  }
0x1b: {  	v2 =	vld [tilespmem:s29+$0xFFFFFF80]  }
0x1c: {  	v3 =	vld [tilespmem:s29+$0xFFFFFFC0]  }
0x1d: {  	s30 =	simm.s32 $0x10100;
	v4 =	vld [tilespmem:s29+$0xFFFFFF40];
	v0 =	vmax.f32 v0, v1  }
0x1e: {  	v1 =	vld [tilespmem:s29+$0xFFFFFF00];
	[tilespmem:s30+$0x80] =	vst v0  }
0x1f: {  	v0 =	vld [tilespmem:s29+$0x90]  }
0x20: {  	v5 =	vld [tilespmem:s29+$0xD0]  }
0x21: {  	v6 =	vld [tilespmem:s29+$0x0];
	v2 =	vmax.f32 v2, v3  }
0x22: {  	v3 =	vld [tilespmem:s29+$0x40];
	[tilespmem:s30+$0xFFFFFF80] =	vst v2  }
0x23: {  	v2 =	vld [tilespmem:s29+$0xFFFFFF90];
	v1 =	vmax.f32 v1, v4  }
0x24: {  	v4 =	vld [tilespmem:s29+$0xFFFFFFD0];
	[tilespmem:s30+$0xFFFFFF00] =	vst v1  }
0x25: {  	v1 =	vld [tilespmem:s29+$0xFFFFFF10];
	v0 =	vmax.f32 v0, v5  }
0x26: {  	v5 =	vld [tilespmem:s29+$0xFFFFFF50];
	[tilespmem:s30+$0x90] =	vst v0  }
0x27: {  	v0 =	vmax.f32 v6, v3;
	v3 =	vld [tilespmem:s29+$0xA0]  }
0x28: {  	[tilespmem:s30+$0x0] =	vst v0;
	v0 =	vld [tilespmem:s29+$0xE0]  }
0x29: {  	v6 =	vld [tilespmem:s29+$0x10];
	v2 =	vmax.f32 v2, v4  }
0x2a: {  	[tilespmem:s30+$0xFFFFFF90] =	vst v2;
	v2 =	vld [tilespmem:s29+$0x50]  }
0x2b: {  	v4 =	vld [tilespmem:s29+$0xFFFFFFA0];
	v1 =	vmax.f32 v1, v5  }
0x2c: {  	v5 =	vld [tilespmem:s29+$0xFFFFFFE0];
	[tilespmem:s30+$0xFFFFFF10] =	vst v1  }
0x2d: {  	v1 =	vld [tilespmem:s29+$0xFFFFFF20];
	v0 =	vmax.f32 v3, v0  }
0x2e: {  	v7 =	vld [tilespmem:s29+$0xFFFFFF60];
	[tilespmem:s30+$0xA0] =	vst v0  }
0x2f: {  	v0 =	vmax.f32 v6, v2;
	v6 =	vld [tilespmem:s29+$0xB0]  }
0x30: {  	v8 =	vld [tilespmem:s29+$0xF0];
	[tilespmem:s30+$0x10] =	vst v0  }
0x31: {  	v2 =	vmax.f32 v4, v5;
	v0 =	vld [tilespmem:s29+$0x20]  }
0x32: {  	[tilespmem:s30+$0xFFFFFFA0] =	vst v2;
	v3 =	vld [tilespmem:s29+$0x60]  }
0x33: {  	v1 =	vmax.f32 v1, v7;
	v2 =	vld [tilespmem:s29+$0xFFFFFFB0]  }
0x34: {  	v4 =	vld [tilespmem:s29+$0xFFFFFFF0];
	[tilespmem:s30+$0xFFFFFF20] =	vst v1  }
0x35: {  	v1 =	vld [tilespmem:s29+$0xFFFFFF30];
	v6 =	vmax.f32 v6, v8  }
0x36: {  	s0 =	simm.s32 $0x0;
	s1 =	simm.s32 $0x300;
	s31 =	simm.s32 $0x10100;
	v5 =	vld [tilespmem:s29+$0xFFFFFF70];
	[tilespmem:s30+$0xB0] =	vst v6  }
.LBB2_2:
0x37: {  	v6 =	vld [tilespmem:s1+$0x80];
	v0 =	vmax.f32 v0, v3  }
0x38: {  	v3 =	vld [tilespmem:s1+$0xC0];
	[tilespmem:s30+$0x20] =	vst v0  }
0x39: {  	v0 =	vld [tilespmem:s1+$0xFFFFFF40];
	v2 =	vmax.f32 v2, v4  }
0x3a: {  	v4 =	vld [tilespmem:s1+$0xFFFFFF80];
	[tilespmem:s30+$0xFFFFFFB0] =	vst v2  }
0x3b: {  	s0 =	sadd.s32 $0x4, s0;
	v2 =	vld [tilespmem:s1+$0xFFFFFFC0];
	v1 =	vmax.f32 v1, v5  }
0x3c: {  	p0 =	slt.u32 s0, $0xFC;
	v5 =	vld [tilespmem:s1+$0x0];
	[tilespmem:s30+$0xFFFFFF30] =	vst v1  }
0x3d: {  	s30 =	sadd.s32 $0x200, s30;
	v1 =	vld [tilespmem:s1+$0x40];
	v3 =	vmax.f32 v6, v3  }
0x3e: {  	v6 =	vld [tilespmem:s1+$0xFFFFFF00];
	[tilespmem:s30+$0x80] =	vst v3  }
0x3f: {  	v3 =	vld [tilespmem:s1+$0x90]  }
0x40: {  	v2 =	vmax.f32 v4, v2;
	v4 =	vld [tilespmem:s1+$0xD0]  }
0x41: {  	[tilespmem:s30+$0xFFFFFF80] =	vst v2;
	v2 =	vld [tilespmem:s29+$0x30]  }
0x42: {  	v7 =	vld [tilespmem:s1+$0xFFFFFF90];
	v1 =	vmax.f32 v5, v1  }
0x43: {  	v0 =	vmax.f32 v6, v0;
	v5 =	vld [tilespmem:s1+$0xFFFFFFD0];
	[tilespmem:s30+$0x0] =	vst v1  }
0x44: {  	[tilespmem:s30+$0xFFFFFF00] =	vst v0;
	v0 =	vld [tilespmem:s1+$0x10]  }
0x45: {  	v1 =	vld [tilespmem:s1+$0xFFFFFF10];
	v3 =	vmax.f32 v3, v4  }
0x46: {  	v4 =	vld [tilespmem:s1+$0xFFFFFF50];
	[tilespmem:s30+$0x90] =	vst v3  }
0x47: {  	v3 =	vld [tilespmem:s1+$0xA0]  }
0x48: {  	v5 =	vmax.f32 v7, v5;
	v6 =	vld [tilespmem:s1+$0xE0]  }
0x49: {  	[tilespmem:s30+$0xFFFFFF90] =	vst v5;
	v5 =	vld [tilespmem:s1+$0x50]  }
0x4a: {  	v7 =	vld [tilespmem:s1+$0xFFFFFFA0]  }
0x4b: {  	v1 =	vmax.f32 v1, v4;
	v4 =	vld [tilespmem:s1+$0xFFFFFFE0]  }
0x4c: {  	[tilespmem:s30+$0xFFFFFF10] =	vst v1;
	v1 =	vld [tilespmem:s29+$0x70];
	s29 =	smov.u32 s1  }
0x4d: {  	v8 =	vld [tilespmem:s1+$0xFFFFFF20];
	v3 =	vmax.f32 v3, v6  }
0x4e: {  	v6 =	vld [tilespmem:s1+$0xFFFFFF60];
	v0 =	vmax.f32 v0, v5;
	[tilespmem:s30+$0xA0] =	vst v3  }
0x4f: {  	[tilespmem:s30+$0x10] =	vst v0;
	v5 =	vld [tilespmem:s1+$0xB0]  }
0x50: {  	v0 =	vmax.f32 v7, v4;
	v7 =	vld [tilespmem:s1+$0xF0]  }
0x51: {  	[tilespmem:s30+$0xFFFFFFA0] =	vst v0;
	v0 =	vld [tilespmem:s1+$0x20];
	v1 =	vmax.f32 v2, v1  }
.Ltmp0:
0x52: {  	v3 =	vld [tilespmem:s1+$0x60];
	[tilespmem:s31+$0x30] =	vst v1;
	s31 =	smov.u32 s30;
	(pc) =	sbr.rel @p0 .LBB2_2-.Ltmp0, $4  }
0x53: {  	v1 =	vmax.f32 v8, v6;
	v2 =	vld [tilespmem:s1+$0xFFFFFFB0]  }
0x54: {  	[tilespmem:s30+$0xFFFFFF20] =	vst v1;
	v4 =	vld [tilespmem:s1+$0xFFFFFFF0]  }
0x55: {  	v1 =	vld [tilespmem:s1+$0xFFFFFF30];
	v6 =	vmax.f32 v5, v7  }
0x56: {  	s1 =	sadd.s32 $0x200, s1;
	v5 =	vld [tilespmem:s29+$0xFFFFFF70];
	[tilespmem:s30+$0xB0] =	vst v6  }
0x57: {  	v0 =	vmax.f32 v0, v3  }
0x58: {  	[tilespmem:s30+$0x20] =	vst v0  }
0x59: {  	v0 =	vld [tilespmem:s29+$0x30]  }
0x5a: {  	v3 =	vld [tilespmem:s29+$0x70];
	_ =	sdelay $0x2  }
0x5b: {  	v2 =	vmax.f32 v2, v4  }
0x5c: {  	[tilespmem:s30+$0xFFFFFFB0] =	vst v2;
	v1 =	vmax.f32 v1, v5  }
0x5d: {  	[tilespmem:s30+$0xFFFFFF30] =	vst v1;
	v0 =	vmax.f32 v0, v3  }
0x5e: {  	[tilespmem:s31+$0x30] =	vst v0  }
0x5f: {  	[bflag:$0x0] =	sbarrier.arrive $0xFFFF  }
0x60: {  	[hbm4b:s5+s2] =	stream.linear.scatter [tilespmem:s22], [sflag:$0x3], $0x8000, $0x38;
	v63 =	vld [tilespmem:$0x0]  }
0x61: {  	_ = 	snop  }
0x62: {  	[tilespmem:s2], [sflag:$0x1] =	stream.linear.gather [hbm4b:s6+s2], $0x8000, $0x38;
	v63 =	vld [tilespmem:$0x0]  }
0x63: {  	_ =	swait.ge [sflag:s23], $0x8000  }
0x64: {  	[sflag:s23] =	ssyncset.done $0x0  }
0x65: {  	[sflag:s23] =	ssyncadd.s32 $0xFFFF8000  }
0x66: {  	s29 =	simm.s32 $0x8100;
	[bflag:$0x0] =	sbarrier.arrive $0xFFFF  }
0x67: {  	v0 =	vld [tilespmem:s29+$0x80]  }
0x68: {  	v1 =	vld [tilespmem:s29+$0xC0];
	_ =	sdelay $0x2  }
0x69: {  	v2 =	vld [tilespmem:s29+$0xFFFFFF80]  }
0x6a: {  	v3 =	vld [tilespmem:s29+$0xFFFFFFC0]  }
0x6b: {  	s30 =	simm.s32 $0x18100;
	v4 =	vld [tilespmem:s29+$0xFFFFFF40];
	v0 =	vmax.f32 v0, v1  }
0x6c: {  	v1 =	vld [tilespmem:s29+$0xFFFFFF00];
	[tilespmem:s30+$0x80] =	vst v0  }
0x6d: {  	v0 =	vld [tilespmem:s29+$0x90]  }
0x6e: {  	v5 =	vld [tilespmem:s29+$0xD0]  }
0x6f: {  	v6 =	vld [tilespmem:s29+$0x0];
	v2 =	vmax.f32 v2, v3  }
0x70: {  	v3 =	vld [tilespmem:s29+$0x40];
	[tilespmem:s30+$0xFFFFFF80] =	vst v2  }
0x71: {  	v2 =	vld [tilespmem:s29+$0xFFFFFF90];
	v1 =	vmax.f32 v1, v4  }
0x72: {  	v4 =	vld [tilespmem:s29+$0xFFFFFFD0];
	[tilespmem:s30+$0xFFFFFF00] =	vst v1  }
0x73: {  	v1 =	vld [tilespmem:s29+$0xFFFFFF10];
	v0 =	vmax.f32 v0, v5  }
0x74: {  	v5 =	vld [tilespmem:s29+$0xFFFFFF50];
	[tilespmem:s30+$0x90] =	vst v0  }
0x75: {  	v0 =	vmax.f32 v6, v3;
	v3 =	vld [tilespmem:s29+$0xA0]  }
0x76: {  	[tilespmem:s30+$0x0] =	vst v0;
	v0 =	vld [tilespmem:s29+$0xE0]  }
0x77: {  	v6 =	vld [tilespmem:s29+$0x10];
	v2 =	vmax.f32 v2, v4  }
0x78: {  	[tilespmem:s30+$0xFFFFFF90] =	vst v2;
	v2 =	vld [tilespmem:s29+$0x50]  }
0x79: {  	v4 =	vld [tilespmem:s29+$0xFFFFFFA0];
	v1 =	vmax.f32 v1, v5  }
0x7a: {  	v5 =	vld [tilespmem:s29+$0xFFFFFFE0];
	[tilespmem:s30+$0xFFFFFF10] =	vst v1  }
0x7b: {  	v1 =	vld [tilespmem:s29+$0xFFFFFF20];
	v0 =	vmax.f32 v3, v0  }
0x7c: {  	v7 =	vld [tilespmem:s29+$0xFFFFFF60];
	[tilespmem:s30+$0xA0] =	vst v0  }
0x7d: {  	v0 =	vmax.f32 v6, v2;
	v6 =	vld [tilespmem:s29+$0xB0]  }
0x7e: {  	v8 =	vld [tilespmem:s29+$0xF0];
	[tilespmem:s30+$0x10] =	vst v0  }
0x7f: {  	v2 =	vmax.f32 v4, v5;
	v0 =	vld [tilespmem:s29+$0x20]  }
0x80: {  	[tilespmem:s30+$0xFFFFFFA0] =	vst v2;
	v3 =	vld [tilespmem:s29+$0x60]  }
0x81: {  	v1 =	vmax.f32 v1, v7;
	v2 =	vld [tilespmem:s29+$0xFFFFFFB0]  }
0x82: {  	v4 =	vld [tilespmem:s29+$0xFFFFFFF0];
	[tilespmem:s30+$0xFFFFFF20] =	vst v1  }
0x83: {  	v1 =	vld [tilespmem:s29+$0xFFFFFF30];
	v6 =	vmax.f32 v6, v8  }
0x84: {  	s0 =	simm.s32 $0x0;
	s1 =	simm.s32 $0x8300;
	s31 =	simm.s32 $0x18100;
	v5 =	vld [tilespmem:s29+$0xFFFFFF70];
	[tilespmem:s30+$0xB0] =	vst v6  }
.LBB2_4:
0x85: {  	v6 =	vld [tilespmem:s1+$0x80];
	v0 =	vmax.f32 v0, v3  }
0x86: {  	v3 =	vld [tilespmem:s1+$0xC0];
	[tilespmem:s30+$0x20] =	vst v0  }
0x87: {  	v0 =	vld [tilespmem:s1+$0xFFFFFF40];
	v2 =	vmax.f32 v2, v4  }
0x88: {  	v4 =	vld [tilespmem:s1+$0xFFFFFF80];
	[tilespmem:s30+$0xFFFFFFB0] =	vst v2  }
0x89: {  	s0 =	sadd.s32 $0x4, s0;
	v2 =	vld [tilespmem:s1+$0xFFFFFFC0];
	v1 =	vmax.f32 v1, v5  }
0x8a: {  	p0 =	slt.u32 s0, $0xFC;
	v5 =	vld [tilespmem:s1+$0x0];
	[tilespmem:s30+$0xFFFFFF30] =	vst v1  }
0x8b: {  	s30 =	sadd.s32 $0x200, s30;
	v1 =	vld [tilespmem:s1+$0x40];
	v3 =	vmax.f32 v6, v3  }
0x8c: {  	v6 =	vld [tilespmem:s1+$0xFFFFFF00];
	[tilespmem:s30+$0x80] =	vst v3  }
0x8d: {  	v3 =	vld [tilespmem:s1+$0x90]  }
0x8e: {  	v2 =	vmax.f32 v4, v2;
	v4 =	vld [tilespmem:s1+$0xD0]  }
0x8f: {  	[tilespmem:s30+$0xFFFFFF80] =	vst v2;
	v2 =	vld [tilespmem:s29+$0x30]  }
0x90: {  	v7 =	vld [tilespmem:s1+$0xFFFFFF90];
	v1 =	vmax.f32 v5, v1  }
0x91: {  	v0 =	vmax.f32 v6, v0;
	v5 =	vld [tilespmem:s1+$0xFFFFFFD0];
	[tilespmem:s30+$0x0] =	vst v1  }
0x92: {  	[tilespmem:s30+$0xFFFFFF00] =	vst v0;
	v0 =	vld [tilespmem:s1+$0x10]  }
0x93: {  	v1 =	vld [tilespmem:s1+$0xFFFFFF10];
	v3 =	vmax.f32 v3, v4  }
0x94: {  	v4 =	vld [tilespmem:s1+$0xFFFFFF50];
	[tilespmem:s30+$0x90] =	vst v3  }
0x95: {  	v3 =	vld [tilespmem:s1+$0xA0]  }
0x96: {  	v5 =	vmax.f32 v7, v5;
	v6 =	vld [tilespmem:s1+$0xE0]  }
0x97: {  	[tilespmem:s30+$0xFFFFFF90] =	vst v5;
	v5 =	vld [tilespmem:s1+$0x50]  }
0x98: {  	v7 =	vld [tilespmem:s1+$0xFFFFFFA0]  }
0x99: {  	v1 =	vmax.f32 v1, v4;
	v4 =	vld [tilespmem:s1+$0xFFFFFFE0]  }
0x9a: {  	[tilespmem:s30+$0xFFFFFF10] =	vst v1;
	v1 =	vld [tilespmem:s29+$0x70];
	s29 =	smov.u32 s1  }
0x9b: {  	v8 =	vld [tilespmem:s1+$0xFFFFFF20];
	v3 =	vmax.f32 v3, v6  }
0x9c: {  	v6 =	vld [tilespmem:s1+$0xFFFFFF60];
	v0 =	vmax.f32 v0, v5;
	[tilespmem:s30+$0xA0] =	vst v3  }
0x9d: {  	[tilespmem:s30+$0x10] =	vst v0;
	v5 =	vld [tilespmem:s1+$0xB0]  }
0x9e: {  	v0 =	vmax.f32 v7, v4;
	v7 =	vld [tilespmem:s1+$0xF0]  }
0x9f: {  	[tilespmem:s30+$0xFFFFFFA0] =	vst v0;
	v0 =	vld [tilespmem:s1+$0x20];
	v1 =	vmax.f32 v2, v1  }
.Ltmp1:
0xa0: {  	v3 =	vld [tilespmem:s1+$0x60];
	[tilespmem:s31+$0x30] =	vst v1;
	s31 =	smov.u32 s30;
	(pc) =	sbr.rel @p0 .LBB2_4-.Ltmp1, $4  }
0xa1: {  	v1 =	vmax.f32 v8, v6;
	v2 =	vld [tilespmem:s1+$0xFFFFFFB0]  }
0xa2: {  	[tilespmem:s30+$0xFFFFFF20] =	vst v1;
	v4 =	vld [tilespmem:s1+$0xFFFFFFF0]  }
0xa3: {  	v1 =	vld [tilespmem:s1+$0xFFFFFF30];
	v6 =	vmax.f32 v5, v7  }
0xa4: {  	s1 =	sadd.s32 $0x200, s1;
	v5 =	vld [tilespmem:s29+$0xFFFFFF70];
	[tilespmem:s30+$0xB0] =	vst v6  }
0xa5: {  	v0 =	vmax.f32 v0, v3  }
0xa6: {  	[tilespmem:s30+$0x20] =	vst v0  }
0xa7: {  	v0 =	vld [tilespmem:s29+$0x30]  }
0xa8: {  	v3 =	vld [tilespmem:s29+$0x70];
	_ =	sdelay $0x2  }
0xa9: {  	v2 =	vmax.f32 v2, v4  }
0xaa: {  	[tilespmem:s30+$0xFFFFFFB0] =	vst v2;
	v1 =	vmax.f32 v1, v5  }
0xab: {  	[tilespmem:s30+$0xFFFFFF30] =	vst v1;
	v0 =	vmax.f32 v0, v3  }
0xac: {  	[tilespmem:s31+$0x30] =	vst v0  }
0xad: {  	[bflag:$0x0] =	sbarrier.arrive $0xFFFF  }
0xae: {  	[hbm4b:s7+s2] =	stream.linear.scatter [tilespmem:s24], [sflag:$0x4], $0x8000, $0x38;
	v63 =	vld [tilespmem:$0x0]  }
0xaf: {  	_ = 	snop  }
0xb0: {  	[tilespmem:s20], [sflag:$0x2] =	stream.linear.gather [hbm4b:s8+s2], $0x8000, $0x38;
	v63 =	vld [tilespmem:$0x0]  }
0xb1: {  	_ =	swait.ge [sflag:s21], $0x8000  }
0xb2: {  	[sflag:s21] =	ssyncset.done $0x0  }
0xb3: {  	[sflag:s21] =	ssyncadd.s32 $0xFFFF8000  }
0xb4: {  	_ =	swait.ge [sflag:s25], $0x8000  }
0xb5: {  	[sflag:s25] =	ssyncset.done $0x0  }
0xb6: {  	[sflag:s25] =	ssyncadd.s32 $0xFFFF8000  }
0xb7: {  	s29 =	simm.s32 $0x100;
	[bflag:$0x0] =	sbarrier.arrive $0xFFFF  }
0xb8: {  	v0 =	vld [tilespmem:s29+$0x80]  }
0xb9: {  	v1 =	vld [tilespmem:s29+$0xC0];
	_ =	sdelay $0x2  }
0xba: {  	v2 =	vld [tilespmem:s29+$0xFFFFFF80]  }
0xbb: {  	v3 =	vld [tilespmem:s29+$0xFFFFFFC0]  }
0xbc: {  	s30 =	simm.s32 $0x10100;
	v4 =	vld [tilespmem:s29+$0xFFFFFF40];
	v0 =	vmax.f32 v0, v1  }
0xbd: {  	v1 =	vld [tilespmem:s29+$0xFFFFFF00];
	[tilespmem:s30+$0x80] =	vst v0  }
0xbe: {  	v0 =	vld [tilespmem:s29+$0x90]  }
0xbf: {  	v5 =	vld [tilespmem:s29+$0xD0]  }
0xc0: {  	v6 =	vld [tilespmem:s29+$0x0];
	v2 =	vmax.f32 v2, v3  }
0xc1: {  	v3 =	vld [tilespmem:s29+$0x40];
	[tilespmem:s30+$0xFFFFFF80] =	vst v2  }
0xc2: {  	v2 =	vld [tilespmem:s29+$0xFFFFFF90];
	v1 =	vmax.f32 v1, v4  }
0xc3: {  	v4 =	vld [tilespmem:s29+$0xFFFFFFD0];
	[tilespmem:s30+$0xFFFFFF00] =	vst v1  }
0xc4: {  	v1 =	vld [tilespmem:s29+$0xFFFFFF10];
	v0 =	vmax.f32 v0, v5  }
0xc5: {  	v5 =	vld [tilespmem:s29+$0xFFFFFF50];
	[tilespmem:s30+$0x90] =	vst v0  }
0xc6: {  	v0 =	vmax.f32 v6, v3;
	v3 =	vld [tilespmem:s29+$0xA0]  }
0xc7: {  	[tilespmem:s30+$0x0] =	vst v0;
	v0 =	vld [tilespmem:s29+$0xE0]  }
0xc8: {  	v6 =	vld [tilespmem:s29+$0x10];
	v2 =	vmax.f32 v2, v4  }
0xc9: {  	[tilespmem:s30+$0xFFFFFF90] =	vst v2;
	v2 =	vld [tilespmem:s29+$0x50]  }
0xca: {  	v4 =	vld [tilespmem:s29+$0xFFFFFFA0];
	v1 =	vmax.f32 v1, v5  }
0xcb: {  	v5 =	vld [tilespmem:s29+$0xFFFFFFE0];
	[tilespmem:s30+$0xFFFFFF10] =	vst v1  }
0xcc: {  	v1 =	vld [tilespmem:s29+$0xFFFFFF20];
	v0 =	vmax.f32 v3, v0  }
0xcd: {  	v7 =	vld [tilespmem:s29+$0xFFFFFF60];
	[tilespmem:s30+$0xA0] =	vst v0  }
0xce: {  	v0 =	vmax.f32 v6, v2;
	v6 =	vld [tilespmem:s29+$0xB0]  }
0xcf: {  	v8 =	vld [tilespmem:s29+$0xF0];
	[tilespmem:s30+$0x10] =	vst v0  }
0xd0: {  	v2 =	vmax.f32 v4, v5;
	v0 =	vld [tilespmem:s29+$0x20]  }
0xd1: {  	[tilespmem:s30+$0xFFFFFFA0] =	vst v2;
	v3 =	vld [tilespmem:s29+$0x60]  }
0xd2: {  	v1 =	vmax.f32 v1, v7;
	v2 =	vld [tilespmem:s29+$0xFFFFFFB0]  }
0xd3: {  	v4 =	vld [tilespmem:s29+$0xFFFFFFF0];
	[tilespmem:s30+$0xFFFFFF20] =	vst v1  }
0xd4: {  	v1 =	vld [tilespmem:s29+$0xFFFFFF30];
	v6 =	vmax.f32 v6, v8  }
0xd5: {  	s0 =	simm.s32 $0x0;
	s1 =	simm.s32 $0x300;
	s31 =	simm.s32 $0x10100;
	v5 =	vld [tilespmem:s29+$0xFFFFFF70];
	[tilespmem:s30+$0xB0] =	vst v6  }
.LBB2_6:
0xd6: {  	v6 =	vld [tilespmem:s1+$0x80];
	v0 =	vmax.f32 v0, v3  }
0xd7: {  	v3 =	vld [tilespmem:s1+$0xC0];
	[tilespmem:s30+$0x20] =	vst v0  }
0xd8: {  	v0 =	vld [tilespmem:s1+$0xFFFFFF40];
	v2 =	vmax.f32 v2, v4  }
0xd9: {  	v4 =	vld [tilespmem:s1+$0xFFFFFF80];
	[tilespmem:s30+$0xFFFFFFB0] =	vst v2  }
0xda: {  	s0 =	sadd.s32 $0x4, s0;
	v2 =	vld [tilespmem:s1+$0xFFFFFFC0];
	v1 =	vmax.f32 v1, v5  }
0xdb: {  	p0 =	slt.u32 s0, $0xFC;
	v5 =	vld [tilespmem:s1+$0x0];
	[tilespmem:s30+$0xFFFFFF30] =	vst v1  }
0xdc: {  	s30 =	sadd.s32 $0x200, s30;
	v1 =	vld [tilespmem:s1+$0x40];
	v3 =	vmax.f32 v6, v3  }
0xdd: {  	v6 =	vld [tilespmem:s1+$0xFFFFFF00];
	[tilespmem:s30+$0x80] =	vst v3  }
0xde: {  	v3 =	vld [tilespmem:s1+$0x90]  }
0xdf: {  	v2 =	vmax.f32 v4, v2;
	v4 =	vld [tilespmem:s1+$0xD0]  }
0xe0: {  	[tilespmem:s30+$0xFFFFFF80] =	vst v2;
	v2 =	vld [tilespmem:s29+$0x30]  }
0xe1: {  	v7 =	vld [tilespmem:s1+$0xFFFFFF90];
	v1 =	vmax.f32 v5, v1  }
0xe2: {  	v0 =	vmax.f32 v6, v0;
	v5 =	vld [tilespmem:s1+$0xFFFFFFD0];
	[tilespmem:s30+$0x0] =	vst v1  }
0xe3: {  	[tilespmem:s30+$0xFFFFFF00] =	vst v0;
	v0 =	vld [tilespmem:s1+$0x10]  }
0xe4: {  	v1 =	vld [tilespmem:s1+$0xFFFFFF10];
	v3 =	vmax.f32 v3, v4  }
0xe5: {  	v4 =	vld [tilespmem:s1+$0xFFFFFF50];
	[tilespmem:s30+$0x90] =	vst v3  }
0xe6: {  	v3 =	vld [tilespmem:s1+$0xA0]  }
0xe7: {  	v5 =	vmax.f32 v7, v5;
	v6 =	vld [tilespmem:s1+$0xE0]  }
0xe8: {  	[tilespmem:s30+$0xFFFFFF90] =	vst v5;
	v5 =	vld [tilespmem:s1+$0x50]  }
0xe9: {  	v7 =	vld [tilespmem:s1+$0xFFFFFFA0]  }
0xea: {  	v1 =	vmax.f32 v1, v4;
	v4 =	vld [tilespmem:s1+$0xFFFFFFE0]  }
0xeb: {  	[tilespmem:s30+$0xFFFFFF10] =	vst v1;
	v1 =	vld [tilespmem:s29+$0x70];
	s29 =	smov.u32 s1  }
0xec: {  	v8 =	vld [tilespmem:s1+$0xFFFFFF20];
	v3 =	vmax.f32 v3, v6  }
0xed: {  	v6 =	vld [tilespmem:s1+$0xFFFFFF60];
	v0 =	vmax.f32 v0, v5;
	[tilespmem:s30+$0xA0] =	vst v3  }
0xee: {  	[tilespmem:s30+$0x10] =	vst v0;
	v5 =	vld [tilespmem:s1+$0xB0]  }
0xef: {  	v0 =	vmax.f32 v7, v4;
	v7 =	vld [tilespmem:s1+$0xF0]  }
0xf0: {  	[tilespmem:s30+$0xFFFFFFA0] =	vst v0;
	v0 =	vld [tilespmem:s1+$0x20];
	v1 =	vmax.f32 v2, v1  }
.Ltmp2:
0xf1: {  	v3 =	vld [tilespmem:s1+$0x60];
	[tilespmem:s31+$0x30] =	vst v1;
	s31 =	smov.u32 s30;
	(pc) =	sbr.rel @p0 .LBB2_6-.Ltmp2, $4  }
0xf2: {  	v1 =	vmax.f32 v8, v6;
	v2 =	vld [tilespmem:s1+$0xFFFFFFB0]  }
0xf3: {  	[tilespmem:s30+$0xFFFFFF20] =	vst v1;
	v4 =	vld [tilespmem:s1+$0xFFFFFFF0]  }
0xf4: {  	v1 =	vld [tilespmem:s1+$0xFFFFFF30];
	v6 =	vmax.f32 v5, v7  }
0xf5: {  	s1 =	sadd.s32 $0x200, s1;
	v5 =	vld [tilespmem:s29+$0xFFFFFF70];
	[tilespmem:s30+$0xB0] =	vst v6  }
0xf6: {  	v0 =	vmax.f32 v0, v3  }
0xf7: {  	[tilespmem:s30+$0x20] =	vst v0  }
0xf8: {  	v0 =	vld [tilespmem:s29+$0x30]  }
0xf9: {  	v3 =	vld [tilespmem:s29+$0x70];
	_ =	sdelay $0x2  }
0xfa: {  	v2 =	vmax.f32 v2, v4  }
0xfb: {  	[tilespmem:s30+$0xFFFFFFB0] =	vst v2;
	v1 =	vmax.f32 v1, v5  }
0xfc: {  	[tilespmem:s30+$0xFFFFFF30] =	vst v1;
	v0 =	vmax.f32 v0, v3  }
0xfd: {  	[tilespmem:s31+$0x30] =	vst v0  }
0xfe: {  	[bflag:$0x0] =	sbarrier.arrive $0xFFFF  }
0xff: {  	[hbm4b:s9+s2] =	stream.linear.scatter [tilespmem:s22], [sflag:$0x3], $0x8000, $0x38;
	v63 =	vld [tilespmem:$0x0]  }
0x100: {  	_ = 	snop  }
0x101: {  	[tilespmem:s2], [sflag:$0x1] =	stream.linear.gather [hbm4b:s10+s2], $0x8000, $0x38;
	v63 =	vld [tilespmem:$0x0]  }
0x102: {  	_ =	swait.ge [sflag:s23], $0x8000  }
0x103: {  	[sflag:s23] =	ssyncset.done $0x0  }
0x104: {  	[sflag:s23] =	ssyncadd.s32 $0xFFFF8000  }
0x105: {  	_ =	swait.ge [sflag:s26], $0x8000  }
0x106: {  	[sflag:s26] =	ssyncset.done $0x0  }
0x107: {  	[sflag:s26] =	ssyncadd.s32 $0xFFFF8000  }
0x108: {  	s29 =	simm.s32 $0x8100;
	[bflag:$0x0] =	sbarrier.arrive $0xFFFF  }
0x109: {  	v0 =	vld [tilespmem:s29+$0x80]  }
0x10a: {  	v1 =	vld [tilespmem:s29+$0xC0];
	_ =	sdelay $0x2  }
0x10b: {  	v2 =	vld [tilespmem:s29+$0xFFFFFF80]  }
0x10c: {  	v3 =	vld [tilespmem:s29+$0xFFFFFFC0]  }
0x10d: {  	s30 =	simm.s32 $0x18100;
	v4 =	vld [tilespmem:s29+$0xFFFFFF40];
	v0 =	vmax.f32 v0, v1  }
0x10e: {  	v1 =	vld [tilespmem:s29+$0xFFFFFF00];
	[tilespmem:s30+$0x80] =	vst v0  }
0x10f: {  	v0 =	vld [tilespmem:s29+$0x90]  }
0x110: {  	v5 =	vld [tilespmem:s29+$0xD0]  }
0x111: {  	v6 =	vld [tilespmem:s29+$0x0];
	v2 =	vmax.f32 v2, v3  }
0x112: {  	v3 =	vld [tilespmem:s29+$0x40];
	[tilespmem:s30+$0xFFFFFF80] =	vst v2  }
0x113: {  	v2 =	vld [tilespmem:s29+$0xFFFFFF90];
	v1 =	vmax.f32 v1, v4  }
0x114: {  	v4 =	vld [tilespmem:s29+$0xFFFFFFD0];
	[tilespmem:s30+$0xFFFFFF00] =	vst v1  }
0x115: {  	v1 =	vld [tilespmem:s29+$0xFFFFFF10];
	v0 =	vmax.f32 v0, v5  }
0x116: {  	v5 =	vld [tilespmem:s29+$0xFFFFFF50];
	[tilespmem:s30+$0x90] =	vst v0  }
0x117: {  	v0 =	vmax.f32 v6, v3;
	v3 =	vld [tilespmem:s29+$0xA0]  }
0x118: {  	[tilespmem:s30+$0x0] =	vst v0;
	v0 =	vld [tilespmem:s29+$0xE0]  }
0x119: {  	v6 =	vld [tilespmem:s29+$0x10];
	v2 =	vmax.f32 v2, v4  }
0x11a: {  	[tilespmem:s30+$0xFFFFFF90] =	vst v2;
	v2 =	vld [tilespmem:s29+$0x50]  }
0x11b: {  	v4 =	vld [tilespmem:s29+$0xFFFFFFA0];
	v1 =	vmax.f32 v1, v5  }
0x11c: {  	v5 =	vld [tilespmem:s29+$0xFFFFFFE0];
	[tilespmem:s30+$0xFFFFFF10] =	vst v1  }
0x11d: {  	v1 =	vld [tilespmem:s29+$0xFFFFFF20];
	v0 =	vmax.f32 v3, v0  }
0x11e: {  	v7 =	vld [tilespmem:s29+$0xFFFFFF60];
	[tilespmem:s30+$0xA0] =	vst v0  }
0x11f: {  	v0 =	vmax.f32 v6, v2;
	v6 =	vld [tilespmem:s29+$0xB0]  }
0x120: {  	v8 =	vld [tilespmem:s29+$0xF0];
	[tilespmem:s30+$0x10] =	vst v0  }
0x121: {  	v2 =	vmax.f32 v4, v5;
	v0 =	vld [tilespmem:s29+$0x20]  }
0x122: {  	[tilespmem:s30+$0xFFFFFFA0] =	vst v2;
	v3 =	vld [tilespmem:s29+$0x60]  }
0x123: {  	v1 =	vmax.f32 v1, v7;
	v2 =	vld [tilespmem:s29+$0xFFFFFFB0]  }
0x124: {  	v4 =	vld [tilespmem:s29+$0xFFFFFFF0];
	[tilespmem:s30+$0xFFFFFF20] =	vst v1  }
0x125: {  	v1 =	vld [tilespmem:s29+$0xFFFFFF30];
	v6 =	vmax.f32 v6, v8  }
0x126: {  	s0 =	simm.s32 $0x0;
	s1 =	simm.s32 $0x8300;
	s31 =	simm.s32 $0x18100;
	v5 =	vld [tilespmem:s29+$0xFFFFFF70];
	[tilespmem:s30+$0xB0] =	vst v6  }
.LBB2_8:
0x127: {  	v6 =	vld [tilespmem:s1+$0x80];
	v0 =	vmax.f32 v0, v3  }
0x128: {  	v3 =	vld [tilespmem:s1+$0xC0];
	[tilespmem:s30+$0x20] =	vst v0  }
0x129: {  	v0 =	vld [tilespmem:s1+$0xFFFFFF40];
	v2 =	vmax.f32 v2, v4  }
0x12a: {  	v4 =	vld [tilespmem:s1+$0xFFFFFF80];
	[tilespmem:s30+$0xFFFFFFB0] =	vst v2  }
0x12b: {  	s0 =	sadd.s32 $0x4, s0;
	v2 =	vld [tilespmem:s1+$0xFFFFFFC0];
	v1 =	vmax.f32 v1, v5  }
0x12c: {  	p0 =	slt.u32 s0, $0xFC;
	v5 =	vld [tilespmem:s1+$0x0];
	[tilespmem:s30+$0xFFFFFF30] =	vst v1  }
0x12d: {  	s30 =	sadd.s32 $0x200, s30;
	v1 =	vld [tilespmem:s1+$0x40];
	v3 =	vmax.f32 v6, v3  }
0x12e: {  	v6 =	vld [tilespmem:s1+$0xFFFFFF00];
	[tilespmem:s30+$0x80] =	vst v3  }
0x12f: {  	v3 =	vld [tilespmem:s1+$0x90]  }
0x130: {  	v2 =	vmax.f32 v4, v2;
	v4 =	vld [tilespmem:s1+$0xD0]  }
0x131: {  	[tilespmem:s30+$0xFFFFFF80] =	vst v2;
	v2 =	vld [tilespmem:s29+$0x30]  }
0x132: {  	v7 =	vld [tilespmem:s1+$0xFFFFFF90];
	v1 =	vmax.f32 v5, v1  }
0x133: {  	v0 =	vmax.f32 v6, v0;
	v5 =	vld [tilespmem:s1+$0xFFFFFFD0];
	[tilespmem:s30+$0x0] =	vst v1  }
0x134: {  	[tilespmem:s30+$0xFFFFFF00] =	vst v0;
	v0 =	vld [tilespmem:s1+$0x10]  }
0x135: {  	v1 =	vld [tilespmem:s1+$0xFFFFFF10];
	v3 =	vmax.f32 v3, v4  }
0x136: {  	v4 =	vld [tilespmem:s1+$0xFFFFFF50];
	[tilespmem:s30+$0x90] =	vst v3  }
0x137: {  	v3 =	vld [tilespmem:s1+$0xA0]  }
0x138: {  	v5 =	vmax.f32 v7, v5;
	v6 =	vld [tilespmem:s1+$0xE0]  }
0x139: {  	[tilespmem:s30+$0xFFFFFF90] =	vst v5;
	v5 =	vld [tilespmem:s1+$0x50]  }
0x13a: {  	v7 =	vld [tilespmem:s1+$0xFFFFFFA0]  }
0x13b: {  	v1 =	vmax.f32 v1, v4;
	v4 =	vld [tilespmem:s1+$0xFFFFFFE0]  }
0x13c: {  	[tilespmem:s30+$0xFFFFFF10] =	vst v1;
	v1 =	vld [tilespmem:s29+$0x70];
	s29 =	smov.u32 s1  }
0x13d: {  	v8 =	vld [tilespmem:s1+$0xFFFFFF20];
	v3 =	vmax.f32 v3, v6  }
0x13e: {  	v6 =	vld [tilespmem:s1+$0xFFFFFF60];
	v0 =	vmax.f32 v0, v5;
	[tilespmem:s30+$0xA0] =	vst v3  }
0x13f: {  	[tilespmem:s30+$0x10] =	vst v0;
	v5 =	vld [tilespmem:s1+$0xB0]  }
0x140: {  	v0 =	vmax.f32 v7, v4;
	v7 =	vld [tilespmem:s1+$0xF0]  }
0x141: {  	[tilespmem:s30+$0xFFFFFFA0] =	vst v0;
	v0 =	vld [tilespmem:s1+$0x20];
	v1 =	vmax.f32 v2, v1  }
.Ltmp3:
0x142: {  	v3 =	vld [tilespmem:s1+$0x60];
	[tilespmem:s31+$0x30] =	vst v1;
	s31 =	smov.u32 s30;
	(pc) =	sbr.rel @p0 .LBB2_8-.Ltmp3, $4  }
0x143: {  	v1 =	vmax.f32 v8, v6;
	v2 =	vld [tilespmem:s1+$0xFFFFFFB0]  }
0x144: {  	[tilespmem:s30+$0xFFFFFF20] =	vst v1;
	v4 =	vld [tilespmem:s1+$0xFFFFFFF0]  }
0x145: {  	v1 =	vld [tilespmem:s1+$0xFFFFFF30];
	v6 =	vmax.f32 v5, v7  }
0x146: {  	s1 =	sadd.s32 $0x200, s1;
	v5 =	vld [tilespmem:s29+$0xFFFFFF70];
	[tilespmem:s30+$0xB0] =	vst v6  }
0x147: {  	v0 =	vmax.f32 v0, v3  }
0x148: {  	[tilespmem:s30+$0x20] =	vst v0  }
0x149: {  	v0 =	vld [tilespmem:s29+$0x30]  }
0x14a: {  	v3 =	vld [tilespmem:s29+$0x70];
	_ =	sdelay $0x2  }
0x14b: {  	v2 =	vmax.f32 v2, v4  }
0x14c: {  	[tilespmem:s30+$0xFFFFFFB0] =	vst v2;
	v1 =	vmax.f32 v1, v5  }
0x14d: {  	[tilespmem:s30+$0xFFFFFF30] =	vst v1;
	v0 =	vmax.f32 v0, v3  }
0x14e: {  	[tilespmem:s31+$0x30] =	vst v0  }
0x14f: {  	[bflag:$0x0] =	sbarrier.arrive $0xFFFF  }
0x150: {  	[hbm4b:s11+s2] =	stream.linear.scatter [tilespmem:s24], [sflag:$0x4], $0x8000, $0x38;
	v63 =	vld [tilespmem:$0x0]  }
0x151: {  	_ = 	snop  }
0x152: {  	[tilespmem:s20], [sflag:$0x2] =	stream.linear.gather [hbm4b:s12+s2], $0x8000, $0x38;
	v63 =	vld [tilespmem:$0x0]  }
0x153: {  	_ =	swait.ge [sflag:s21], $0x8000  }
0x154: {  	[sflag:s21] =	ssyncset.done $0x0  }
0x155: {  	[sflag:s21] =	ssyncadd.s32 $0xFFFF8000  }
0x156: {  	_ =	swait.ge [sflag:s25], $0x8000  }
0x157: {  	[sflag:s25] =	ssyncset.done $0x0  }
0x158: {  	[sflag:s25] =	ssyncadd.s32 $0xFFFF8000  }
0x159: {  	s29 =	simm.s32 $0x100;
	[bflag:$0x0] =	sbarrier.arrive $0xFFFF  }
0x15a: {  	v0 =	vld [tilespmem:s29+$0x80]  }
0x15b: {  	v1 =	vld [tilespmem:s29+$0xC0];
	_ =	sdelay $0x2  }
0x15c: {  	v2 =	vld [tilespmem:s29+$0xFFFFFF80]  }
0x15d: {  	v3 =	vld [tilespmem:s29+$0xFFFFFFC0]  }
0x15e: {  	s30 =	simm.s32 $0x10100;
	v4 =	vld [tilespmem:s29+$0xFFFFFF40];
	v0 =	vmax.f32 v0, v1  }
0x15f: {  	v1 =	vld [tilespmem:s29+$0xFFFFFF00];
	[tilespmem:s30+$0x80] =	vst v0  }
0x160: {  	v0 =	vld [tilespmem:s29+$0x90]  }
0x161: {  	v5 =	vld [tilespmem:s29+$0xD0]  }
0x162: {  	v6 =	vld [tilespmem:s29+$0x0];
	v2 =	vmax.f32 v2, v3  }
0x163: {  	v3 =	vld [tilespmem:s29+$0x40];
	[tilespmem:s30+$0xFFFFFF80] =	vst v2  }
0x164: {  	v2 =	vld [tilespmem:s29+$0xFFFFFF90];
	v1 =	vmax.f32 v1, v4  }
0x165: {  	v4 =	vld [tilespmem:s29+$0xFFFFFFD0];
	[tilespmem:s30+$0xFFFFFF00] =	vst v1  }
0x166: {  	v1 =	vld [tilespmem:s29+$0xFFFFFF10];
	v0 =	vmax.f32 v0, v5  }
0x167: {  	v5 =	vld [tilespmem:s29+$0xFFFFFF50];
	[tilespmem:s30+$0x90] =	vst v0  }
0x168: {  	v0 =	vmax.f32 v6, v3;
	v3 =	vld [tilespmem:s29+$0xA0]  }
0x169: {  	[tilespmem:s30+$0x0] =	vst v0;
	v0 =	vld [tilespmem:s29+$0xE0]  }
0x16a: {  	v6 =	vld [tilespmem:s29+$0x10];
	v2 =	vmax.f32 v2, v4  }
0x16b: {  	[tilespmem:s30+$0xFFFFFF90] =	vst v2;
	v2 =	vld [tilespmem:s29+$0x50]  }
0x16c: {  	v4 =	vld [tilespmem:s29+$0xFFFFFFA0];
	v1 =	vmax.f32 v1, v5  }
0x16d: {  	v5 =	vld [tilespmem:s29+$0xFFFFFFE0];
	[tilespmem:s30+$0xFFFFFF10] =	vst v1  }
0x16e: {  	v1 =	vld [tilespmem:s29+$0xFFFFFF20];
	v0 =	vmax.f32 v3, v0  }
0x16f: {  	v7 =	vld [tilespmem:s29+$0xFFFFFF60];
	[tilespmem:s30+$0xA0] =	vst v0  }
0x170: {  	v0 =	vmax.f32 v6, v2;
	v6 =	vld [tilespmem:s29+$0xB0]  }
0x171: {  	v8 =	vld [tilespmem:s29+$0xF0];
	[tilespmem:s30+$0x10] =	vst v0  }
0x172: {  	v2 =	vmax.f32 v4, v5;
	v0 =	vld [tilespmem:s29+$0x20]  }
0x173: {  	[tilespmem:s30+$0xFFFFFFA0] =	vst v2;
	v3 =	vld [tilespmem:s29+$0x60]  }
0x174: {  	v1 =	vmax.f32 v1, v7;
	v2 =	vld [tilespmem:s29+$0xFFFFFFB0]  }
0x175: {  	v4 =	vld [tilespmem:s29+$0xFFFFFFF0];
	[tilespmem:s30+$0xFFFFFF20] =	vst v1  }
0x176: {  	v1 =	vld [tilespmem:s29+$0xFFFFFF30];
	v6 =	vmax.f32 v6, v8  }
0x177: {  	s0 =	simm.s32 $0x0;
	s1 =	simm.s32 $0x300;
	s31 =	simm.s32 $0x10100;
	v5 =	vld [tilespmem:s29+$0xFFFFFF70];
	[tilespmem:s30+$0xB0] =	vst v6  }
.LBB2_10:
0x178: {  	v6 =	vld [tilespmem:s1+$0x80];
	v0 =	vmax.f32 v0, v3  }
0x179: {  	v3 =	vld [tilespmem:s1+$0xC0];
	[tilespmem:s30+$0x20] =	vst v0  }
0x17a: {  	v0 =	vld [tilespmem:s1+$0xFFFFFF40];
	v2 =	vmax.f32 v2, v4  }
0x17b: {  	v4 =	vld [tilespmem:s1+$0xFFFFFF80];
	[tilespmem:s30+$0xFFFFFFB0] =	vst v2  }
0x17c: {  	s0 =	sadd.s32 $0x4, s0;
	v2 =	vld [tilespmem:s1+$0xFFFFFFC0];
	v1 =	vmax.f32 v1, v5  }
0x17d: {  	p0 =	slt.u32 s0, $0xFC;
	v5 =	vld [tilespmem:s1+$0x0];
	[tilespmem:s30+$0xFFFFFF30] =	vst v1  }
0x17e: {  	s30 =	sadd.s32 $0x200, s30;
	v1 =	vld [tilespmem:s1+$0x40];
	v3 =	vmax.f32 v6, v3  }
0x17f: {  	v6 =	vld [tilespmem:s1+$0xFFFFFF00];
	[tilespmem:s30+$0x80] =	vst v3  }
0x180: {  	v3 =	vld [tilespmem:s1+$0x90]  }
0x181: {  	v2 =	vmax.f32 v4, v2;
	v4 =	vld [tilespmem:s1+$0xD0]  }
0x182: {  	[tilespmem:s30+$0xFFFFFF80] =	vst v2;
	v2 =	vld [tilespmem:s29+$0x30]  }
0x183: {  	v7 =	vld [tilespmem:s1+$0xFFFFFF90];
	v1 =	vmax.f32 v5, v1  }
0x184: {  	v0 =	vmax.f32 v6, v0;
	v5 =	vld [tilespmem:s1+$0xFFFFFFD0];
	[tilespmem:s30+$0x0] =	vst v1  }
0x185: {  	[tilespmem:s30+$0xFFFFFF00] =	vst v0;
	v0 =	vld [tilespmem:s1+$0x10]  }
0x186: {  	v1 =	vld [tilespmem:s1+$0xFFFFFF10];
	v3 =	vmax.f32 v3, v4  }
0x187: {  	v4 =	vld [tilespmem:s1+$0xFFFFFF50];
	[tilespmem:s30+$0x90] =	vst v3  }
0x188: {  	v3 =	vld [tilespmem:s1+$0xA0]  }
0x189: {  	v5 =	vmax.f32 v7, v5;
	v6 =	vld [tilespmem:s1+$0xE0]  }
0x18a: {  	[tilespmem:s30+$0xFFFFFF90] =	vst v5;
	v5 =	vld [tilespmem:s1+$0x50]  }
0x18b: {  	v7 =	vld [tilespmem:s1+$0xFFFFFFA0]  }
0x18c: {  	v1 =	vmax.f32 v1, v4;
	v4 =	vld [tilespmem:s1+$0xFFFFFFE0]  }
0x18d: {  	[tilespmem:s30+$0xFFFFFF10] =	vst v1;
	v1 =	vld [tilespmem:s29+$0x70];
	s29 =	smov.u32 s1  }
0x18e: {  	v8 =	vld [tilespmem:s1+$0xFFFFFF20];
	v3 =	vmax.f32 v3, v6  }
0x18f: {  	v6 =	vld [tilespmem:s1+$0xFFFFFF60];
	v0 =	vmax.f32 v0, v5;
	[tilespmem:s30+$0xA0] =	vst v3  }
0x190: {  	[tilespmem:s30+$0x10] =	vst v0;
	v5 =	vld [tilespmem:s1+$0xB0]  }
0x191: {  	v0 =	vmax.f32 v7, v4;
	v7 =	vld [tilespmem:s1+$0xF0]  }
0x192: {  	[tilespmem:s30+$0xFFFFFFA0] =	vst v0;
	v0 =	vld [tilespmem:s1+$0x20];
	v1 =	vmax.f32 v2, v1  }
.Ltmp4:
0x193: {  	v3 =	vld [tilespmem:s1+$0x60];
	[tilespmem:s31+$0x30] =	vst v1;
	s31 =	smov.u32 s30;
	(pc) =	sbr.rel @p0 .LBB2_10-.Ltmp4, $4  }
0x194: {  	v1 =	vmax.f32 v8, v6;
	v2 =	vld [tilespmem:s1+$0xFFFFFFB0]  }
0x195: {  	[tilespmem:s30+$0xFFFFFF20] =	vst v1;
	v4 =	vld [tilespmem:s1+$0xFFFFFFF0]  }
0x196: {  	v1 =	vld [tilespmem:s1+$0xFFFFFF30];
	v6 =	vmax.f32 v5, v7  }
0x197: {  	s1 =	sadd.s32 $0x200, s1;
	v5 =	vld [tilespmem:s29+$0xFFFFFF70];
	[tilespmem:s30+$0xB0] =	vst v6  }
0x198: {  	v0 =	vmax.f32 v0, v3  }
0x199: {  	[tilespmem:s30+$0x20] =	vst v0  }
0x19a: {  	v0 =	vld [tilespmem:s29+$0x30]  }
0x19b: {  	v3 =	vld [tilespmem:s29+$0x70];
	_ =	sdelay $0x2  }
0x19c: {  	v2 =	vmax.f32 v2, v4  }
0x19d: {  	[tilespmem:s30+$0xFFFFFFB0] =	vst v2;
	v1 =	vmax.f32 v1, v5  }
0x19e: {  	[tilespmem:s30+$0xFFFFFF30] =	vst v1;
	v0 =	vmax.f32 v0, v3  }
0x19f: {  	[tilespmem:s31+$0x30] =	vst v0  }
0x1a0: {  	[bflag:$0x0] =	sbarrier.arrive $0xFFFF  }
0x1a1: {  	[hbm4b:s13+s2] =	stream.linear.scatter [tilespmem:s22], [sflag:$0x3], $0x8000, $0x38;
	v63 =	vld [tilespmem:$0x0]  }
0x1a2: {  	_ = 	snop  }
0x1a3: {  	[tilespmem:s2], [sflag:$0x1] =	stream.linear.gather [hbm4b:s14+s2], $0x8000, $0x38;
	v63 =	vld [tilespmem:$0x0]  }
0x1a4: {  	_ =	swait.ge [sflag:s23], $0x8000  }
0x1a5: {  	[sflag:s23] =	ssyncset.done $0x0  }
0x1a6: {  	[sflag:s23] =	ssyncadd.s32 $0xFFFF8000  }
0x1a7: {  	_ =	swait.ge [sflag:s26], $0x8000  }
0x1a8: {  	[sflag:s26] =	ssyncset.done $0x0  }
0x1a9: {  	[sflag:s26] =	ssyncadd.s32 $0xFFFF8000  }
0x1aa: {  	s29 =	simm.s32 $0x8100;
	[bflag:$0x0] =	sbarrier.arrive $0xFFFF  }
0x1ab: {  	v0 =	vld [tilespmem:s29+$0x80]  }
0x1ac: {  	v1 =	vld [tilespmem:s29+$0xC0];
	_ =	sdelay $0x2  }
0x1ad: {  	v2 =	vld [tilespmem:s29+$0xFFFFFF80]  }
0x1ae: {  	v3 =	vld [tilespmem:s29+$0xFFFFFFC0]  }
0x1af: {  	s30 =	simm.s32 $0x18100;
	v4 =	vld [tilespmem:s29+$0xFFFFFF40];
	v0 =	vmax.f32 v0, v1  }
0x1b0: {  	v1 =	vld [tilespmem:s29+$0xFFFFFF00];
	[tilespmem:s30+$0x80] =	vst v0  }
0x1b1: {  	v0 =	vld [tilespmem:s29+$0x90]  }
0x1b2: {  	v5 =	vld [tilespmem:s29+$0xD0]  }
0x1b3: {  	v6 =	vld [tilespmem:s29+$0x0];
	v2 =	vmax.f32 v2, v3  }
0x1b4: {  	v3 =	vld [tilespmem:s29+$0x40];
	[tilespmem:s30+$0xFFFFFF80] =	vst v2  }
0x1b5: {  	v2 =	vld [tilespmem:s29+$0xFFFFFF90];
	v1 =	vmax.f32 v1, v4  }
0x1b6: {  	v4 =	vld [tilespmem:s29+$0xFFFFFFD0];
	[tilespmem:s30+$0xFFFFFF00] =	vst v1  }
0x1b7: {  	v1 =	vld [tilespmem:s29+$0xFFFFFF10];
	v0 =	vmax.f32 v0, v5  }
0x1b8: {  	v5 =	vld [tilespmem:s29+$0xFFFFFF50];
	[tilespmem:s30+$0x90] =	vst v0  }
0x1b9: {  	v0 =	vmax.f32 v6, v3;
	v3 =	vld [tilespmem:s29+$0xA0]  }
0x1ba: {  	[tilespmem:s30+$0x0] =	vst v0;
	v0 =	vld [tilespmem:s29+$0xE0]  }
0x1bb: {  	v6 =	vld [tilespmem:s29+$0x10];
	v2 =	vmax.f32 v2, v4  }
0x1bc: {  	[tilespmem:s30+$0xFFFFFF90] =	vst v2;
	v2 =	vld [tilespmem:s29+$0x50]  }
0x1bd: {  	v4 =	vld [tilespmem:s29+$0xFFFFFFA0];
	v1 =	vmax.f32 v1, v5  }
0x1be: {  	v5 =	vld [tilespmem:s29+$0xFFFFFFE0];
	[tilespmem:s30+$0xFFFFFF10] =	vst v1  }
0x1bf: {  	v1 =	vld [tilespmem:s29+$0xFFFFFF20];
	v0 =	vmax.f32 v3, v0  }
0x1c0: {  	v7 =	vld [tilespmem:s29+$0xFFFFFF60];
	[tilespmem:s30+$0xA0] =	vst v0  }
0x1c1: {  	v0 =	vmax.f32 v6, v2;
	v6 =	vld [tilespmem:s29+$0xB0]  }
0x1c2: {  	v8 =	vld [tilespmem:s29+$0xF0];
	[tilespmem:s30+$0x10] =	vst v0  }
0x1c3: {  	v2 =	vmax.f32 v4, v5;
	v0 =	vld [tilespmem:s29+$0x20]  }
0x1c4: {  	[tilespmem:s30+$0xFFFFFFA0] =	vst v2;
	v3 =	vld [tilespmem:s29+$0x60]  }
0x1c5: {  	v1 =	vmax.f32 v1, v7;
	v2 =	vld [tilespmem:s29+$0xFFFFFFB0]  }
0x1c6: {  	v4 =	vld [tilespmem:s29+$0xFFFFFFF0];
	[tilespmem:s30+$0xFFFFFF20] =	vst v1  }
0x1c7: {  	v1 =	vld [tilespmem:s29+$0xFFFFFF30];
	v6 =	vmax.f32 v6, v8  }
0x1c8: {  	s0 =	simm.s32 $0x0;
	s1 =	simm.s32 $0x8300;
	s31 =	simm.s32 $0x18100;
	v5 =	vld [tilespmem:s29+$0xFFFFFF70];
	[tilespmem:s30+$0xB0] =	vst v6  }
.LBB2_12:
0x1c9: {  	v6 =	vld [tilespmem:s1+$0x80];
	v0 =	vmax.f32 v0, v3  }
0x1ca: {  	v3 =	vld [tilespmem:s1+$0xC0];
	[tilespmem:s30+$0x20] =	vst v0  }
0x1cb: {  	v0 =	vld [tilespmem:s1+$0xFFFFFF40];
	v2 =	vmax.f32 v2, v4  }
0x1cc: {  	v4 =	vld [tilespmem:s1+$0xFFFFFF80];
	[tilespmem:s30+$0xFFFFFFB0] =	vst v2  }
0x1cd: {  	s0 =	sadd.s32 $0x4, s0;
	v2 =	vld [tilespmem:s1+$0xFFFFFFC0];
	v1 =	vmax.f32 v1, v5  }
0x1ce: {  	p0 =	slt.u32 s0, $0xFC;
	v5 =	vld [tilespmem:s1+$0x0];
	[tilespmem:s30+$0xFFFFFF30] =	vst v1  }
0x1cf: {  	s30 =	sadd.s32 $0x200, s30;
	v1 =	vld [tilespmem:s1+$0x40];
	v3 =	vmax.f32 v6, v3  }
0x1d0: {  	v6 =	vld [tilespmem:s1+$0xFFFFFF00];
	[tilespmem:s30+$0x80] =	vst v3  }
0x1d1: {  	v3 =	vld [tilespmem:s1+$0x90]  }
0x1d2: {  	v2 =	vmax.f32 v4, v2;
	v4 =	vld [tilespmem:s1+$0xD0]  }
0x1d3: {  	[tilespmem:s30+$0xFFFFFF80] =	vst v2;
	v2 =	vld [tilespmem:s29+$0x30]  }
0x1d4: {  	v7 =	vld [tilespmem:s1+$0xFFFFFF90];
	v1 =	vmax.f32 v5, v1  }
0x1d5: {  	v0 =	vmax.f32 v6, v0;
	v5 =	vld [tilespmem:s1+$0xFFFFFFD0];
	[tilespmem:s30+$0x0] =	vst v1  }
0x1d6: {  	[tilespmem:s30+$0xFFFFFF00] =	vst v0;
	v0 =	vld [tilespmem:s1+$0x10]  }
0x1d7: {  	v1 =	vld [tilespmem:s1+$0xFFFFFF10];
	v3 =	vmax.f32 v3, v4  }
0x1d8: {  	v4 =	vld [tilespmem:s1+$0xFFFFFF50];
	[tilespmem:s30+$0x90] =	vst v3  }
0x1d9: {  	v3 =	vld [tilespmem:s1+$0xA0]  }
0x1da: {  	v5 =	vmax.f32 v7, v5;
	v6 =	vld [tilespmem:s1+$0xE0]  }
0x1db: {  	[tilespmem:s30+$0xFFFFFF90] =	vst v5;
	v5 =	vld [tilespmem:s1+$0x50]  }
0x1dc: {  	v7 =	vld [tilespmem:s1+$0xFFFFFFA0]  }
0x1dd: {  	v1 =	vmax.f32 v1, v4;
	v4 =	vld [tilespmem:s1+$0xFFFFFFE0]  }
0x1de: {  	[tilespmem:s30+$0xFFFFFF10] =	vst v1;
	v1 =	vld [tilespmem:s29+$0x70];
	s29 =	smov.u32 s1  }
0x1df: {  	v8 =	vld [tilespmem:s1+$0xFFFFFF20];
	v3 =	vmax.f32 v3, v6  }
0x1e0: {  	v6 =	vld [tilespmem:s1+$0xFFFFFF60];
	v0 =	vmax.f32 v0, v5;
	[tilespmem:s30+$0xA0] =	vst v3  }
0x1e1: {  	[tilespmem:s30+$0x10] =	vst v0;
	v5 =	vld [tilespmem:s1+$0xB0]  }
0x1e2: {  	v0 =	vmax.f32 v7, v4;
	v7 =	vld [tilespmem:s1+$0xF0]  }
0x1e3: {  	[tilespmem:s30+$0xFFFFFFA0] =	vst v0;
	v0 =	vld [tilespmem:s1+$0x20];
	v1 =	vmax.f32 v2, v1  }
.Ltmp5:
0x1e4: {  	v3 =	vld [tilespmem:s1+$0x60];
	[tilespmem:s31+$0x30] =	vst v1;
	s31 =	smov.u32 s30;
	(pc) =	sbr.rel @p0 .LBB2_12-.Ltmp5, $4  }
0x1e5: {  	v1 =	vmax.f32 v8, v6;
	v2 =	vld [tilespmem:s1+$0xFFFFFFB0]  }
0x1e6: {  	[tilespmem:s30+$0xFFFFFF20] =	vst v1;
	v4 =	vld [tilespmem:s1+$0xFFFFFFF0]  }
0x1e7: {  	v1 =	vld [tilespmem:s1+$0xFFFFFF30];
	v6 =	vmax.f32 v5, v7  }
0x1e8: {  	s1 =	sadd.s32 $0x200, s1;
	v5 =	vld [tilespmem:s29+$0xFFFFFF70];
	[tilespmem:s30+$0xB0] =	vst v6  }
0x1e9: {  	v0 =	vmax.f32 v0, v3  }
0x1ea: {  	[tilespmem:s30+$0x20] =	vst v0  }
0x1eb: {  	v0 =	vld [tilespmem:s29+$0x30]  }
0x1ec: {  	v3 =	vld [tilespmem:s29+$0x70];
	_ =	sdelay $0x2  }
0x1ed: {  	v2 =	vmax.f32 v2, v4  }
0x1ee: {  	[tilespmem:s30+$0xFFFFFFB0] =	vst v2;
	v1 =	vmax.f32 v1, v5  }
0x1ef: {  	[tilespmem:s30+$0xFFFFFF30] =	vst v1;
	v0 =	vmax.f32 v0, v3  }
0x1f0: {  	[tilespmem:s31+$0x30] =	vst v0  }
0x1f1: {  	[bflag:$0x0] =	sbarrier.arrive $0xFFFF  }
0x1f2: {  	[hbm4b:s15+s2] =	stream.linear.scatter [tilespmem:s24], [sflag:$0x4], $0x8000, $0x38;
	v63 =	vld [tilespmem:$0x0]  }
0x1f3: {  	_ = 	snop  }
0x1f4: {  	[tilespmem:s20], [sflag:$0x2] =	stream.linear.gather [hbm4b:s16+s2], $0x8000, $0x38;
	v63 =	vld [tilespmem:$0x0]  }
0x1f5: {  	_ =	swait.ge [sflag:s21], $0x8000  }
0x1f6: {  	[sflag:s21] =	ssyncset.done $0x0  }
0x1f7: {  	[sflag:s21] =	ssyncadd.s32 $0xFFFF8000  }
0x1f8: {  	_ =	swait.ge [sflag:s25], $0x8000  }
0x1f9: {  	[sflag:s25] =	ssyncset.done $0x0  }
0x1fa: {  	[sflag:s25] =	ssyncadd.s32 $0xFFFF8000  }
0x1fb: {  	s29 =	simm.s32 $0x100;
	[bflag:$0x0] =	sbarrier.arrive $0xFFFF  }
0x1fc: {  	v0 =	vld [tilespmem:s29+$0x80]  }
0x1fd: {  	v1 =	vld [tilespmem:s29+$0xC0];
	_ =	sdelay $0x2  }
0x1fe: {  	v2 =	vld [tilespmem:s29+$0xFFFFFF80]  }
0x1ff: {  	v3 =	vld [tilespmem:s29+$0xFFFFFFC0]  }
0x200: {  	s30 =	simm.s32 $0x10100;
	v4 =	vld [tilespmem:s29+$0xFFFFFF40];
	v0 =	vmax.f32 v0, v1  }
0x201: {  	v1 =	vld [tilespmem:s29+$0xFFFFFF00];
	[tilespmem:s30+$0x80] =	vst v0  }
0x202: {  	v0 =	vld [tilespmem:s29+$0x90]  }
0x203: {  	v5 =	vld [tilespmem:s29+$0xD0]  }
0x204: {  	v6 =	vld [tilespmem:s29+$0x0];
	v2 =	vmax.f32 v2, v3  }
0x205: {  	v3 =	vld [tilespmem:s29+$0x40];
	[tilespmem:s30+$0xFFFFFF80] =	vst v2  }
0x206: {  	v2 =	vld [tilespmem:s29+$0xFFFFFF90];
	v1 =	vmax.f32 v1, v4  }
0x207: {  	v4 =	vld [tilespmem:s29+$0xFFFFFFD0];
	[tilespmem:s30+$0xFFFFFF00] =	vst v1  }
0x208: {  	v1 =	vld [tilespmem:s29+$0xFFFFFF10];
	v0 =	vmax.f32 v0, v5  }
0x209: {  	v5 =	vld [tilespmem:s29+$0xFFFFFF50];
	[tilespmem:s30+$0x90] =	vst v0  }
0x20a: {  	v0 =	vmax.f32 v6, v3;
	v3 =	vld [tilespmem:s29+$0xA0]  }
0x20b: {  	[tilespmem:s30+$0x0] =	vst v0;
	v0 =	vld [tilespmem:s29+$0xE0]  }
0x20c: {  	v6 =	vld [tilespmem:s29+$0x10];
	v2 =	vmax.f32 v2, v4  }
0x20d: {  	[tilespmem:s30+$0xFFFFFF90] =	vst v2;
	v2 =	vld [tilespmem:s29+$0x50]  }
0x20e: {  	v4 =	vld [tilespmem:s29+$0xFFFFFFA0];
	v1 =	vmax.f32 v1, v5  }
0x20f: {  	v5 =	vld [tilespmem:s29+$0xFFFFFFE0];
	[tilespmem:s30+$0xFFFFFF10] =	vst v1  }
0x210: {  	v1 =	vld [tilespmem:s29+$0xFFFFFF20];
	v0 =	vmax.f32 v3, v0  }
0x211: {  	v7 =	vld [tilespmem:s29+$0xFFFFFF60];
	[tilespmem:s30+$0xA0] =	vst v0  }
0x212: {  	v0 =	vmax.f32 v6, v2;
	v6 =	vld [tilespmem:s29+$0xB0]  }
0x213: {  	v8 =	vld [tilespmem:s29+$0xF0];
	[tilespmem:s30+$0x10] =	vst v0  }
0x214: {  	v2 =	vmax.f32 v4, v5;
	v0 =	vld [tilespmem:s29+$0x20]  }
0x215: {  	[tilespmem:s30+$0xFFFFFFA0] =	vst v2;
	v3 =	vld [tilespmem:s29+$0x60]  }
0x216: {  	v1 =	vmax.f32 v1, v7;
	v2 =	vld [tilespmem:s29+$0xFFFFFFB0]  }
0x217: {  	v4 =	vld [tilespmem:s29+$0xFFFFFFF0];
	[tilespmem:s30+$0xFFFFFF20] =	vst v1  }
0x218: {  	v1 =	vld [tilespmem:s29+$0xFFFFFF30];
	v6 =	vmax.f32 v6, v8  }
0x219: {  	s0 =	simm.s32 $0x0;
	s1 =	simm.s32 $0x300;
	s31 =	simm.s32 $0x10100;
	v5 =	vld [tilespmem:s29+$0xFFFFFF70];
	[tilespmem:s30+$0xB0] =	vst v6  }
.LBB2_14:
0x21a: {  	v6 =	vld [tilespmem:s1+$0x80];
	v0 =	vmax.f32 v0, v3  }
0x21b: {  	v3 =	vld [tilespmem:s1+$0xC0];
	[tilespmem:s30+$0x20] =	vst v0  }
0x21c: {  	v0 =	vld [tilespmem:s1+$0xFFFFFF40];
	v2 =	vmax.f32 v2, v4  }
0x21d: {  	v4 =	vld [tilespmem:s1+$0xFFFFFF80];
	[tilespmem:s30+$0xFFFFFFB0] =	vst v2  }
0x21e: {  	s0 =	sadd.s32 $0x4, s0;
	v2 =	vld [tilespmem:s1+$0xFFFFFFC0];
	v1 =	vmax.f32 v1, v5  }
0x21f: {  	p0 =	slt.u32 s0, $0xFC;
	v5 =	vld [tilespmem:s1+$0x0];
	[tilespmem:s30+$0xFFFFFF30] =	vst v1  }
0x220: {  	s30 =	sadd.s32 $0x200, s30;
	v1 =	vld [tilespmem:s1+$0x40];
	v3 =	vmax.f32 v6, v3  }
0x221: {  	v6 =	vld [tilespmem:s1+$0xFFFFFF00];
	[tilespmem:s30+$0x80] =	vst v3  }
0x222: {  	v3 =	vld [tilespmem:s1+$0x90]  }
0x223: {  	v2 =	vmax.f32 v4, v2;
	v4 =	vld [tilespmem:s1+$0xD0]  }
0x224: {  	[tilespmem:s30+$0xFFFFFF80] =	vst v2;
	v2 =	vld [tilespmem:s29+$0x30]  }
0x225: {  	v7 =	vld [tilespmem:s1+$0xFFFFFF90];
	v1 =	vmax.f32 v5, v1  }
0x226: {  	v0 =	vmax.f32 v6, v0;
	v5 =	vld [tilespmem:s1+$0xFFFFFFD0];
	[tilespmem:s30+$0x0] =	vst v1  }
0x227: {  	[tilespmem:s30+$0xFFFFFF00] =	vst v0;
	v0 =	vld [tilespmem:s1+$0x10]  }
0x228: {  	v1 =	vld [tilespmem:s1+$0xFFFFFF10];
	v3 =	vmax.f32 v3, v4  }
0x229: {  	v4 =	vld [tilespmem:s1+$0xFFFFFF50];
	[tilespmem:s30+$0x90] =	vst v3  }
0x22a: {  	v3 =	vld [tilespmem:s1+$0xA0]  }
0x22b: {  	v5 =	vmax.f32 v7, v5;
	v6 =	vld [tilespmem:s1+$0xE0]  }
0x22c: {  	[tilespmem:s30+$0xFFFFFF90] =	vst v5;
	v5 =	vld [tilespmem:s1+$0x50]  }
0x22d: {  	v7 =	vld [tilespmem:s1+$0xFFFFFFA0]  }
0x22e: {  	v1 =	vmax.f32 v1, v4;
	v4 =	vld [tilespmem:s1+$0xFFFFFFE0]  }
0x22f: {  	[tilespmem:s30+$0xFFFFFF10] =	vst v1;
	v1 =	vld [tilespmem:s29+$0x70];
	s29 =	smov.u32 s1  }
0x230: {  	v8 =	vld [tilespmem:s1+$0xFFFFFF20];
	v3 =	vmax.f32 v3, v6  }
0x231: {  	v6 =	vld [tilespmem:s1+$0xFFFFFF60];
	v0 =	vmax.f32 v0, v5;
	[tilespmem:s30+$0xA0] =	vst v3  }
0x232: {  	[tilespmem:s30+$0x10] =	vst v0;
	v5 =	vld [tilespmem:s1+$0xB0]  }
0x233: {  	v0 =	vmax.f32 v7, v4;
	v7 =	vld [tilespmem:s1+$0xF0]  }
0x234: {  	[tilespmem:s30+$0xFFFFFFA0] =	vst v0;
	v0 =	vld [tilespmem:s1+$0x20];
	v1 =	vmax.f32 v2, v1  }
.Ltmp6:
0x235: {  	v3 =	vld [tilespmem:s1+$0x60];
	[tilespmem:s31+$0x30] =	vst v1;
	s31 =	smov.u32 s30;
	(pc) =	sbr.rel @p0 .LBB2_14-.Ltmp6, $4  }
0x236: {  	v1 =	vmax.f32 v8, v6;
	v2 =	vld [tilespmem:s1+$0xFFFFFFB0]  }
0x237: {  	[tilespmem:s30+$0xFFFFFF20] =	vst v1;
	v4 =	vld [tilespmem:s1+$0xFFFFFFF0]  }
0x238: {  	v1 =	vld [tilespmem:s1+$0xFFFFFF30];
	v6 =	vmax.f32 v5, v7  }
0x239: {  	s1 =	sadd.s32 $0x200, s1;
	v5 =	vld [tilespmem:s29+$0xFFFFFF70];
	[tilespmem:s30+$0xB0] =	vst v6  }
0x23a: {  	v0 =	vmax.f32 v0, v3  }
0x23b: {  	[tilespmem:s30+$0x20] =	vst v0  }
0x23c: {  	v0 =	vld [tilespmem:s29+$0x30]  }
0x23d: {  	v3 =	vld [tilespmem:s29+$0x70];
	_ =	sdelay $0x2  }
0x23e: {  	v2 =	vmax.f32 v2, v4  }
0x23f: {  	[tilespmem:s30+$0xFFFFFFB0] =	vst v2;
	v1 =	vmax.f32 v1, v5  }
0x240: {  	[tilespmem:s30+$0xFFFFFF30] =	vst v1;
	v0 =	vmax.f32 v0, v3  }
0x241: {  	[tilespmem:s31+$0x30] =	vst v0  }
0x242: {  	[bflag:$0x0] =	sbarrier.arrive $0xFFFF  }
0x243: {  	[hbm4b:s17+s2] =	stream.linear.scatter [tilespmem:s22], [sflag:$0x3], $0x8000, $0x38;
	v63 =	vld [tilespmem:$0x0]  }
0x244: {  	_ =	swait.ge [sflag:s23], $0x8000  }
0x245: {  	[sflag:s23] =	ssyncset.done $0x0  }
0x246: {  	[sflag:s23] =	ssyncadd.s32 $0xFFFF8000  }
0x247: {  	_ =	swait.ge [sflag:s26], $0x8000  }
0x248: {  	[sflag:s26] =	ssyncset.done $0x0  }
0x249: {  	[sflag:s26] =	ssyncadd.s32 $0xFFFF8000  }
0x24a: {  	s29 =	simm.s32 $0x8100;
	[bflag:$0x0] =	sbarrier.arrive $0xFFFF  }
0x24b: {  	v0 =	vld [tilespmem:s29+$0x80]  }
0x24c: {  	v1 =	vld [tilespmem:s29+$0xC0];
	_ =	sdelay $0x2  }
0x24d: {  	v2 =	vld [tilespmem:s29+$0xFFFFFF80]  }
0x24e: {  	v3 =	vld [tilespmem:s29+$0xFFFFFFC0]  }
0x24f: {  	s30 =	simm.s32 $0x18100;
	v4 =	vld [tilespmem:s29+$0xFFFFFF40];
	v0 =	vmax.f32 v0, v1  }
0x250: {  	v1 =	vld [tilespmem:s29+$0xFFFFFF00];
	[tilespmem:s30+$0x80] =	vst v0  }
0x251: {  	v0 =	vld [tilespmem:s29+$0x90]  }
0x252: {  	v5 =	vld [tilespmem:s29+$0xD0]  }
0x253: {  	v6 =	vld [tilespmem:s29+$0x0];
	v2 =	vmax.f32 v2, v3  }
0x254: {  	v3 =	vld [tilespmem:s29+$0x40];
	[tilespmem:s30+$0xFFFFFF80] =	vst v2  }
0x255: {  	v2 =	vld [tilespmem:s29+$0xFFFFFF90];
	v1 =	vmax.f32 v1, v4  }
0x256: {  	v4 =	vld [tilespmem:s29+$0xFFFFFFD0];
	[tilespmem:s30+$0xFFFFFF00] =	vst v1  }
0x257: {  	v1 =	vld [tilespmem:s29+$0xFFFFFF10];
	v0 =	vmax.f32 v0, v5  }
0x258: {  	v5 =	vld [tilespmem:s29+$0xFFFFFF50];
	[tilespmem:s30+$0x90] =	vst v0  }
0x259: {  	v0 =	vmax.f32 v6, v3;
	v3 =	vld [tilespmem:s29+$0xA0]  }
0x25a: {  	[tilespmem:s30+$0x0] =	vst v0;
	v0 =	vld [tilespmem:s29+$0xE0]  }
0x25b: {  	v6 =	vld [tilespmem:s29+$0x10];
	v2 =	vmax.f32 v2, v4  }
0x25c: {  	[tilespmem:s30+$0xFFFFFF90] =	vst v2;
	v2 =	vld [tilespmem:s29+$0x50]  }
0x25d: {  	v4 =	vld [tilespmem:s29+$0xFFFFFFA0];
	v1 =	vmax.f32 v1, v5  }
0x25e: {  	v5 =	vld [tilespmem:s29+$0xFFFFFFE0];
	[tilespmem:s30+$0xFFFFFF10] =	vst v1  }
0x25f: {  	v1 =	vld [tilespmem:s29+$0xFFFFFF20];
	v0 =	vmax.f32 v3, v0  }
0x260: {  	v7 =	vld [tilespmem:s29+$0xFFFFFF60];
	[tilespmem:s30+$0xA0] =	vst v0  }
0x261: {  	v0 =	vmax.f32 v6, v2;
	v6 =	vld [tilespmem:s29+$0xB0]  }
0x262: {  	v8 =	vld [tilespmem:s29+$0xF0];
	[tilespmem:s30+$0x10] =	vst v0  }
0x263: {  	v2 =	vmax.f32 v4, v5;
	v0 =	vld [tilespmem:s29+$0x20]  }
0x264: {  	[tilespmem:s30+$0xFFFFFFA0] =	vst v2;
	v3 =	vld [tilespmem:s29+$0x60]  }
0x265: {  	v1 =	vmax.f32 v1, v7;
	v2 =	vld [tilespmem:s29+$0xFFFFFFB0]  }
0x266: {  	v4 =	vld [tilespmem:s29+$0xFFFFFFF0];
	[tilespmem:s30+$0xFFFFFF20] =	vst v1  }
0x267: {  	v1 =	vld [tilespmem:s29+$0xFFFFFF30];
	v6 =	vmax.f32 v6, v8  }
0x268: {  	s0 =	simm.s32 $0x0;
	s1 =	simm.s32 $0x8300;
	s31 =	simm.s32 $0x18100;
	v5 =	vld [tilespmem:s29+$0xFFFFFF70];
	[tilespmem:s30+$0xB0] =	vst v6  }
.LBB2_16:
0x269: {  	v6 =	vld [tilespmem:s1+$0x80];
	v0 =	vmax.f32 v0, v3  }
0x26a: {  	v3 =	vld [tilespmem:s1+$0xC0];
	[tilespmem:s30+$0x20] =	vst v0  }
0x26b: {  	v0 =	vld [tilespmem:s1+$0xFFFFFF40];
	v2 =	vmax.f32 v2, v4  }
0x26c: {  	v4 =	vld [tilespmem:s1+$0xFFFFFF80];
	[tilespmem:s30+$0xFFFFFFB0] =	vst v2  }
0x26d: {  	s0 =	sadd.s32 $0x4, s0;
	v2 =	vld [tilespmem:s1+$0xFFFFFFC0];
	v1 =	vmax.f32 v1, v5  }
0x26e: {  	p0 =	slt.u32 s0, $0xFC;
	v5 =	vld [tilespmem:s1+$0x0];
	[tilespmem:s30+$0xFFFFFF30] =	vst v1  }
0x26f: {  	s30 =	sadd.s32 $0x200, s30;
	v1 =	vld [tilespmem:s1+$0x40];
	v3 =	vmax.f32 v6, v3  }
0x270: {  	v6 =	vld [tilespmem:s1+$0xFFFFFF00];
	[tilespmem:s30+$0x80] =	vst v3  }
0x271: {  	v3 =	vld [tilespmem:s1+$0x90]  }
0x272: {  	v2 =	vmax.f32 v4, v2;
	v4 =	vld [tilespmem:s1+$0xD0]  }
0x273: {  	[tilespmem:s30+$0xFFFFFF80] =	vst v2;
	v2 =	vld [tilespmem:s29+$0x30]  }
0x274: {  	v7 =	vld [tilespmem:s1+$0xFFFFFF90];
	v1 =	vmax.f32 v5, v1  }
0x275: {  	v0 =	vmax.f32 v6, v0;
	v5 =	vld [tilespmem:s1+$0xFFFFFFD0];
	[tilespmem:s30+$0x0] =	vst v1  }
0x276: {  	[tilespmem:s30+$0xFFFFFF00] =	vst v0;
	v0 =	vld [tilespmem:s1+$0x10]  }
0x277: {  	v1 =	vld [tilespmem:s1+$0xFFFFFF10];
	v3 =	vmax.f32 v3, v4  }
0x278: {  	v4 =	vld [tilespmem:s1+$0xFFFFFF50];
	[tilespmem:s30+$0x90] =	vst v3  }
0x279: {  	v3 =	vld [tilespmem:s1+$0xA0]  }
0x27a: {  	v5 =	vmax.f32 v7, v5;
	v6 =	vld [tilespmem:s1+$0xE0]  }
0x27b: {  	[tilespmem:s30+$0xFFFFFF90] =	vst v5;
	v5 =	vld [tilespmem:s1+$0x50]  }
0x27c: {  	v7 =	vld [tilespmem:s1+$0xFFFFFFA0]  }
0x27d: {  	v1 =	vmax.f32 v1, v4;
	v4 =	vld [tilespmem:s1+$0xFFFFFFE0]  }
0x27e: {  	[tilespmem:s30+$0xFFFFFF10] =	vst v1;
	v1 =	vld [tilespmem:s29+$0x70];
	s29 =	smov.u32 s1  }
0x27f: {  	v8 =	vld [tilespmem:s1+$0xFFFFFF20];
	v3 =	vmax.f32 v3, v6  }
0x280: {  	v6 =	vld [tilespmem:s1+$0xFFFFFF60];
	v0 =	vmax.f32 v0, v5;
	[tilespmem:s30+$0xA0] =	vst v3  }
0x281: {  	[tilespmem:s30+$0x10] =	vst v0;
	v5 =	vld [tilespmem:s1+$0xB0]  }
0x282: {  	v0 =	vmax.f32 v7, v4;
	v7 =	vld [tilespmem:s1+$0xF0]  }
0x283: {  	[tilespmem:s30+$0xFFFFFFA0] =	vst v0;
	v0 =	vld [tilespmem:s1+$0x20];
	v1 =	vmax.f32 v2, v1  }
.Ltmp7:
0x284: {  	v3 =	vld [tilespmem:s1+$0x60];
	[tilespmem:s31+$0x30] =	vst v1;
	s31 =	smov.u32 s30;
	(pc) =	sbr.rel @p0 .LBB2_16-.Ltmp7, $4  }
0x285: {  	v1 =	vmax.f32 v8, v6;
	v2 =	vld [tilespmem:s1+$0xFFFFFFB0]  }
0x286: {  	[tilespmem:s30+$0xFFFFFF20] =	vst v1;
	v4 =	vld [tilespmem:s1+$0xFFFFFFF0]  }
0x287: {  	v1 =	vld [tilespmem:s1+$0xFFFFFF30];
	v6 =	vmax.f32 v5, v7  }
0x288: {  	s1 =	sadd.s32 $0x200, s1;
	v5 =	vld [tilespmem:s29+$0xFFFFFF70];
	[tilespmem:s30+$0xB0] =	vst v6  }
0x289: {  	v0 =	vmax.f32 v0, v3  }
0x28a: {  	[tilespmem:s30+$0x20] =	vst v0  }
0x28b: {  	v0 =	vld [tilespmem:s29+$0x30]  }
0x28c: {  	v62 =	vld [tilespmem:s29+$0x70];
	_ =	sdelay $0x2  }
0x28d: {  	v2 =	vmax.f32 v2, v4  }
0x28e: {  	[tilespmem:s30+$0xFFFFFFB0] =	vst v2;
	v1 =	vmax.f32 v1, v5  }
0x28f: {  	[tilespmem:s30+$0xFFFFFF30] =	vst v1;
	v0 =	vmax.f32 v0, v62  }
0x290: {  	[tilespmem:s31+$0x30] =	vst v0  }
0x291: {  	s28 =	sadd.s32 $0x1, s28;
	[bflag:$0x0] =	sbarrier.arrive $0xFFFF  }
0x292: {  	[hbm4b:s18+s2] =	stream.linear.scatter [tilespmem:s24], [sflag:$0x4], $0x8000, $0x38;
	v63 =	vld [tilespmem:$0x0]  }
0x293: {  	p0 =	sne.s32 s28, s19;
	_ =	swait.ge [sflag:s25], $0x8000  }
.Ltmp8:
0x294: {  	[sflag:s25] =	ssyncset.done $0x0;
	(pc) =	sbr.rel @p0 .LBB2_1-.Ltmp8, $4  }
0x295: {  	[sflag:s25] =	ssyncadd.s32 $0xFFFF8000  }
0x296: {  	_ =	swait.ge [sflag:s26], $0x8000  }
0x297: {  	[sflag:s26] =	ssyncset.done $0x0  }
0x298: {  	[sflag:s26] =	ssyncadd.s32 $0xFFFF8000  }
0x299: {  	_ =	sfence.sel $0x180000  }
0x29a: {  	[bflag:$0x0] =	sbarrier.arrive $0xFFFF  }
0x29b: {  	_ =	strace $0x90000047  }
0x29c: {  	s0 =	stileid.u32;
	[bflag:$0x2] =	sbarrier.arrive $0xFFFF  }
0x29d: {  	p0 =	sne.s32 s0, $0x0;
	s0 =	rddreg [dreg:$0x2]  }
0x29e: {  	s0 =	sadd.s32 @!p0 $0x100000, s0  }
0x29f: {  	[sflag:s0] =	ssyncadd.tile.s32 @!p0 $0x1;
	_ =	shalt  }
.Lfunc_end2:
_tile_overlayer_lowered:
.L_overlay_start_2:
0x2a0: {  	(tag) =	ssettag $0x2  }
0x2a1: {  	s0 =	rddreg [dreg:$0x0];
	s2 =	stileid.u32  }
0x2a2: {  	s1 =	rddreg [dreg:$0x1];
	p0 =	sne.s32 s2, $0x0  }
0x2a3: {  	s3 =	rddreg [dreg:$0x2];
	[bflag:$0x3] =	sbarrier.arrive $0xFFFF;
	s2 =	simm.s32 @!p0 $0x1C05  }
0x2a4: {  	[timem:s3], [sflag:s2] =	dma.local @!p0 [hbm:s0], s1  }
0x2a5: {  	s0 =	simm.s32 @!p0 $0x5  }
0x2a6: {  	_ =	swait.ge @!p0 [sflag:s0], s1  }
0x2a7: {  	s1 =	ssub.s32 @!p0 $0x0, s1;
	[sflag:s0] =	ssyncset.done @!p0 $0x0  }
0x2a8: {  	[sflag:s0] =	ssyncadd.s32 @!p0 s1  }
0x2a9: {  	[bflag:$0x3] =	sbarrier.arrive $0xFFFF  }
0x2aa: {  	_ =	shalt  }

</sc_bundles>
